<compile_context>
chip_gen: v7x
topology: tpu7x:2x2x1
jax: 0.10.2.dev20260603
libtpu: 0.0.44.dev20260713+nightly
codegen_flags: <defaults>
</compile_context>

<pallas_src>
import functools

import jax
import jax.numpy as jnp
from jax import lax
from jax.experimental import pallas as pl
from jax.experimental.pallas import tpu as pltpu
from jax.experimental.pallas import tpu_sc as plsc

B = 16384
NC = 2
NS = 16
NW = NC * NS
BPW = B // NW
CHUNK = 128
NCH = BPW // CHUNK

VC, DC = 1000000, 32
VI, DI = 100000, 48
DH, DD = 8, 8

CB_C = 8192
CB_I = 4096


def _relayout_client_body(wt_ref, out_ref):
    x = wt_ref[...]
    eye = (jax.lax.broadcasted_iota(jnp.int32, (DC, DC), 0) ==
           jax.lax.broadcasted_iota(jnp.int32, (DC, DC), 1)).astype(jnp.float32)
    xt = jnp.dot(jnp.transpose(x), eye,
                 preferred_element_type=jnp.float32)
    x3 = xt.reshape(CB_C // 4, 4, 32)
    for p in range(4):
        out_ref[:, 32 * p:32 * (p + 1)] = x3[:, p, :]


def _relayout_client(wt):
    nb = (VC + CB_C - 1) // CB_C
    return pl.pallas_call(
        _relayout_client_body,
        grid=(nb,),
        in_specs=[pl.BlockSpec((DC, CB_C), lambda i: (0, i))],
        out_specs=pl.BlockSpec((CB_C // 4, 128), lambda i: (i, 0)),
        out_shape=jax.ShapeDtypeStruct((VC // 4, 128), jnp.float32),
        compiler_params=pltpu.CompilerParams(
            fuse_transposed_lhs_in_matmul=True),
    )(wt)


def _relayout_item_body(wt_ref, out_ref):
    x = wt_ref[...]
    eyep = (jax.lax.broadcasted_iota(jnp.int32, (DI, 64), 0) ==
            jax.lax.broadcasted_iota(jnp.int32, (DI, 64), 1)).astype(jnp.float32)
    xp = jnp.dot(jnp.transpose(x), eyep,
                 preferred_element_type=jnp.float32)
    x3 = xp.reshape(CB_I // 2, 2, 64)
    for p in range(2):
        out_ref[:, 64 * p:64 * (p + 1)] = x3[:, p, :]


def _relayout_item(wt):
    nb = (VI + CB_I - 1) // CB_I
    return pl.pallas_call(
        _relayout_item_body,
        grid=(nb,),
        in_specs=[pl.BlockSpec((DI, CB_I), lambda i: (0, i))],
        out_specs=pl.BlockSpec((CB_I // 2, 128), lambda i: (i, 0)),
        out_shape=jax.ShapeDtypeStruct((VI // 2, 128), jnp.float32),
        compiler_params=pltpu.CompilerParams(
            fuse_transposed_lhs_in_matmul=True),
    )(wt)


def _sc_gather_body(cidx_hbm, iidx_hbm,
                    wc_hbm, wi_hbm,
                    out_c, out_i,
                    cidx_v, iidx_v,
                    bufc, bufi,
                    sem):
    wid = lax.axis_index("s") * NC + lax.axis_index("c")
    base = wid * BPW
    pltpu.sync_copy(cidx_hbm.at[wid], cidx_v)
    pltpu.sync_copy(iidx_hbm.at[wid], iidx_v)

    def fire(j):
        p = j % 2
        return [
            pltpu.async_copy(wc_hbm.at[cidx_v.at[j]], bufc.at[p], sem),
            pltpu.async_copy(wi_hbm.at[iidx_v.at[j]], bufi.at[p], sem),
        ]

    def drain(j, copies):
        p = j % 2
        for cp in copies:
            cp.wait()
        sl = pl.ds(base + j * CHUNK, CHUNK)
        pltpu.sync_copy(bufc.at[p], out_c.at[sl])
        pltpu.sync_copy(bufi.at[p], out_i.at[sl])

    pending = fire(0)
    for j in range(1, NCH):
        nxt = fire(j)
        drain(j - 1, pending)
        pending = nxt
    drain(NCH - 1, pending)


@functools.cache
def _sc_gather_kernel():
  return pl.kernel(
    _sc_gather_body,
    out_type=[
        jax.ShapeDtypeStruct((B, 128), jnp.float32),
        jax.ShapeDtypeStruct((B, 128), jnp.float32),
    ],
    mesh=plsc.VectorSubcoreMesh(
        core_axis_name="c", subcore_axis_name="s",
        num_cores=NC, num_subcores=NS),
    compiler_params=pltpu.CompilerParams(use_tc_tiling_on_sc=False),
    scratch_types=[
        pltpu.VMEM((NCH, CHUNK), jnp.int32),
        pltpu.VMEM((NCH, CHUNK), jnp.int32),
        pltpu.VMEM((2, CHUNK, 128), jnp.float32),
        pltpu.VMEM((2, CHUNK, 128), jnp.float32),
        pltpu.SemaphoreType.DMA,
    ],
  )


BLK = 2048
NB = B // BLK


def _mlp_body(dense, ecs, eis, masks,
              wch, tbl_h, wh, tbl_d, wdw, wdu, bu1, wu2, bu2,
              wie, wdi, bi1, wi2, bi2,
              q_ref, c_ref):
    d = dense[...]
    f32 = jnp.float32
    mv = masks[...]
    ec = ecs[:, 0:32] * mv[:, 0:1]
    for p in range(1, 4):
        ec = ec + ecs[:, 32 * p:32 * (p + 1)] * mv[:, p:p + 1]
    ei = eis[:, 0:48] * mv[:, 8:9]
    ei = ei + eis[:, 64:112] * mv[:, 9:10]
    eh = jnp.dot(mv[:, 16:40], tbl_h[...], preferred_element_type=f32)
    ed = jnp.dot(mv[:, 40:47], tbl_d[...], preferred_element_type=f32)
    hu = jnp.dot(ec, wch[...], preferred_element_type=f32)
    hu = hu + jnp.dot(eh, wh[...], preferred_element_type=f32)
    hu = hu + jnp.dot(ed, wdw[...], preferred_element_type=f32)
    hu = hu + jnp.dot(d, wdu[...], preferred_element_type=f32)
    hu = jnp.maximum(hu + bu1[...], 0.0)
    q_ref[...] = jnp.maximum(
        jnp.dot(hu, wu2[...], preferred_element_type=f32) + bu2[...], 0.0)
    hi = jnp.dot(ei, wie[...], preferred_element_type=f32)
    hi = hi + jnp.dot(d, wdi[...], preferred_element_type=f32)
    hi = jnp.maximum(hi + bi1[...], 0.0)
    c_ref[...] = jnp.maximum(
        jnp.dot(hi, wi2[...], preferred_element_type=f32) + bi2[...], 0.0)


def _batch_spec(width):
    return pl.BlockSpec((BLK, width), lambda i: (i, 0))


def _full_spec(shape):
    return pl.BlockSpec(shape, lambda i: (0, 0))


def _mlp_call(dense, ecs, eis, masks, weights):
    (wch, tbl_h, wh, tbl_d, wdw, wdu, bu1, wu2, bu2,
     wie, wdi, bi1, wi2, bi2) = weights
    batch_args = (dense, ecs, eis, masks)
    in_specs = [_batch_spec(a.shape[1]) for a in batch_args]
    in_specs += [_full_spec(w.shape) for w in weights]
    out_specs = [_batch_spec(32), _batch_spec(32)]
    return pl.pallas_call(
        _mlp_body,
        grid=(NB,),
        in_specs=in_specs,
        out_specs=out_specs,
        out_shape=[
            jax.ShapeDtypeStruct((B, 32), jnp.float32),
            jax.ShapeDtypeStruct((B, 32), jnp.float32),
        ],
    )(*batch_args, *weights)


def kernel(dense_features, client_index, hour, dayOfWeek, item_index,
           W_client, W_hour, W_dow, W_item,
           Wu1, bu1, Wu2, bu2, Wi1, bi1, Wi2, bi2):
    cidx = client_index.astype(jnp.int32)
    iidx = item_index.astype(jnp.int32)
    cidx4 = (cidx // 4).reshape(NW, NCH, CHUNK)
    iidx2 = (iidx // 2).reshape(NW, NCH, CHUNK)
    lanes = jnp.arange(64)[None, :]
    masks = ((cidx[:, None] % 4 + 0 == lanes) |
             (iidx[:, None] % 2 + 8 == lanes) |
             (hour[:, None].astype(jnp.int32) + 16 == lanes) |
             (dayOfWeek[:, None].astype(jnp.int32) + 40 == lanes)
             ).astype(jnp.float32)

    wc_packed = _relayout_client(W_client.T)
    wi_packed = _relayout_item(W_item.T)

    ecs, eis = _sc_gather_kernel()(cidx4, iidx2, wc_packed, wi_packed)

    wch = Wu1[0:32]
    wh = Wu1[32:40]
    wdw = Wu1[40:44]
    wdu = jnp.concatenate([Wu1[44:53], jnp.zeros((7, 64), jnp.float32)], axis=0)
    wie = Wi1[0:48]
    wdi = jnp.concatenate([jnp.zeros((9, 64), jnp.float32), Wi1[48:55]], axis=0)

    weights = (wch, W_hour, wh, W_dow, wdw, wdu, bu1.reshape(1, 64), Wu2,
               bu2.reshape(1, 32), wie, wdi, bi1.reshape(1, 64), Wi2,
               bi2.reshape(1, 32))
    q, c = _mlp_call(dense_features, ecs, eis, masks, weights)
    return (q, c)

# --- scband reference (transcript-rebuilt; emitter-appended) ---
"""Pipeline reference for scband-two-tower-82815559402003 (READ-ONLY COPY).

The authoritative reference and input builder live on the scoring server;
editing this copy changes nothing except your own understanding.
"""

import jax, jax.numpy as jnp
import numpy as np

B = 16384

def setup_inputs(seed: int = 0) -> dict:
    key = jax.random.key(seed)
    ks = jax.random.split(key, 16)
    inp = {}
    inp["dense_features"] = jax.random.normal(ks[0], (B, 16), dtype=jnp.float32)
    inp["client_index"] = jax.random.randint(ks[1], (B,), 0, 1000000)
    inp["hour"] = jax.random.randint(ks[2], (B,), 0, 24)
    inp["dayOfWeek"] = jax.random.randint(ks[3], (B,), 0, 7)
    inp["item_index"] = jax.random.randint(ks[4], (B,), 0, 100000)
    inp["W_client"] = jax.random.normal(ks[5], (1000000, 32), dtype=jnp.float32) * 0.01
    inp["W_hour"] = jax.random.normal(ks[6], (24, 8), dtype=jnp.float32) * 0.01
    inp["W_dow"] = jax.random.normal(ks[7], (7, 4), dtype=jnp.float32) * 0.01
    inp["W_item"] = jax.random.normal(ks[8], (100000, 48), dtype=jnp.float32) * 0.01
    inp["Wu1"] = jax.random.normal(ks[9], (53, 64), dtype=jnp.float32) * 0.05
    inp["bu1"] = jnp.zeros((64,), dtype=jnp.float32)
    inp["Wu2"] = jax.random.normal(ks[10], (64, 32), dtype=jnp.float32) * 0.05
    inp["bu2"] = jnp.zeros((32,), dtype=jnp.float32)
    inp["Wi1"] = jax.random.normal(ks[11], (55, 64), dtype=jnp.float32) * 0.05
    inp["bi1"] = jnp.zeros((64,), dtype=jnp.float32)
    inp["Wi2"] = jax.random.normal(ks[12], (64, 32), dtype=jnp.float32) * 0.05
    inp["bi2"] = jnp.zeros((32,), dtype=jnp.float32)
    return inp

def reference(dense_features, client_index, hour, dayOfWeek, item_index,
              W_client, W_hour, W_dow, W_item,
              Wu1, bu1, Wu2, bu2, Wi1, bi1, Wi2, bi2):
    # EmbeddingBagCollection pooled lookups (one index per sample -> pooled = gather)
    e_client = jnp.take(W_client, client_index, axis=0)
    e_hour = jnp.take(W_hour, hour, axis=0)
    e_dow = jnp.take(W_dow, dayOfWeek, axis=0)
    e_item = jnp.take(W_item, item_index, axis=0)
    sparse_user_cat = jnp.concatenate([e_client, e_hour, e_dow], axis=1)  # [B, 44]
    sparse_item_cat = e_item  # [B, 48]
    dense_user = dense_features[:, :9]
    dense_item = dense_features[:, 9:]
    u_in = jnp.concatenate([sparse_user_cat, dense_user], axis=1)  # [B, 53]
    i_in = jnp.concatenate([sparse_item_cat, dense_item], axis=1)  # [B, 55]
    # MLP with ReLU on every layer (torchrec MLP default)
    q = jax.nn.relu(jnp.dot(jax.nn.relu(jnp.dot(u_in, Wu1) + bu1), Wu2) + bu2)
    c = jax.nn.relu(jnp.dot(jax.nn.relu(jnp.dot(i_in, Wi1) + bi1), Wi2) + bi2)
    return (q, c)

if __name__ == "__main__":
    import jax
    _d = setup_inputs()
    print(jax.jit(kernel)(*tuple(_d.values())))

</pallas_src>

<mosaic_0001>
#map = affine_map<(d0, d1) -> (0, 0, 0)>
#map1 = affine_map<(d0, d1) -> (0, 0)>
module attributes {stable_mosaic.version = 14 : i64} {
  func.func @_sc_gather_body(%arg0: i32, %arg1: i32, %arg2: memref<32x4x128xi32, #tpu.memory_space<hbm>>, %arg3: memref<32x4x128xi32, #tpu.memory_space<hbm>>, %arg4: memref<250000x128xf32, #tpu.memory_space<hbm>>, %arg5: memref<50000x128xf32, #tpu.memory_space<hbm>>, %arg6: memref<16384x128xf32, #tpu.memory_space<hbm>>, %arg7: memref<16384x128xf32, #tpu.memory_space<hbm>>, %arg8: memref<4x128xi32, #tpu.memory_space<vmem>>, %arg9: memref<4x128xi32, #tpu.memory_space<vmem>>, %arg10: memref<2x128x128xf32, #tpu.memory_space<vmem>>, %arg11: memref<2x128x128xf32, #tpu.memory_space<vmem>>, %arg12: memref<!tpu.dma_semaphore, #tpu.memory_space<semaphore_mem>>) attributes {dimension_semantics = [#tpu.dimension_semantics<core_parallel>, #tpu.dimension_semantics<subcore_parallel>], iteration_bounds = array<i64: 2, 16>, scalar_prefetch = 0 : i64, scratch_operands = 5 : i64, tpu.core_type = #tpu.core_type<sc_vector_subcore>, window_params = [{transform_indices = #map}, {transform_indices = #map}, {transform_indices = #map1}, {transform_indices = #map1}, {transform_indices = #map1}, {transform_indices = #map1}]} {
    %mul3A = arith.constant 2 : i32
    %mul3A_0 = arith.muli %arg1, %mul3A : i32
    %add3A = arith.addi %mul3A_0, %arg0 : i32
    %mul3A_1 = arith.constant 512 : i32
    %mul3A_2 = arith.muli %add3A, %mul3A_1 : i32
    "tpu.region"() ({
      %run_scoped3A_208 = tpu.sem_alloc : memref<!tpu.dma_semaphore, #tpu.memory_space<semaphore_mem>>
      %dma_start3A_209 = arith.constant 0 : i32
      %dma_start3A_210 = arith.constant 0 : i32
      %dma_start3A_211 = tpu.memref_slice %arg2[%add3A, %dma_start3A_209, %dma_start3A_210] : memref<32x4x128xi32, #tpu.memory_space<hbm>> -> memref<1x4x128xi32, #tpu.memory_space<hbm>>
      %dma_start3A_212 = tpu.memref_squeeze %dma_start3A_211 : memref<1x4x128xi32, #tpu.memory_space<hbm>> -> memref<4x128xi32, #tpu.memory_space<hbm>>
      %dma_start3A_213 = arith.constant 0 : i32
      %dma_start3A_214 = arith.constant 0 : i32
      %dma_start3A_215 = tpu.memref_slice %arg2[%add3A, %dma_start3A_213, %dma_start3A_214] : memref<32x4x128xi32, #tpu.memory_space<hbm>> -> memref<1x4x128xi32, #tpu.memory_space<hbm>>
      %dma_start3A_216 = tpu.memref_squeeze %dma_start3A_215 : memref<1x4x128xi32, #tpu.memory_space<hbm>> -> memref<4x128xi32, #tpu.memory_space<hbm>>
      tpu.enqueue_dma source(%dma_start3A_216 : memref<4x128xi32, #tpu.memory_space<hbm>>) target(%arg8 : memref<4x128xi32, #tpu.memory_space<vmem>>) target_semaphore(%run_scoped3A_208 : memref<!tpu.dma_semaphore, #tpu.memory_space<semaphore_mem>>)
      %dma_wait3A_217 = arith.constant 0 : i32
      %dma_wait3A_218 = arith.constant 0 : i32
      %dma_wait3A_219 = tpu.memref_slice %arg2[%add3A, %dma_wait3A_217, %dma_wait3A_218] : memref<32x4x128xi32, #tpu.memory_space<hbm>> -> memref<1x4x128xi32, #tpu.memory_space<hbm>>
      %dma_wait3A_220 = tpu.memref_squeeze %dma_wait3A_219 : memref<1x4x128xi32, #tpu.memory_space<hbm>> -> memref<4x128xi32, #tpu.memory_space<hbm>>
      %dma_wait3A_221 = arith.constant 0 : i32
      %dma_wait3A_222 = arith.constant 0 : i32
      %dma_wait3A_223 = tpu.memref_slice %arg2[%add3A, %dma_wait3A_221, %dma_wait3A_222] : memref<32x4x128xi32, #tpu.memory_space<hbm>> -> memref<1x4x128xi32, #tpu.memory_space<hbm>>
      %dma_wait3A_224 = tpu.memref_squeeze %dma_wait3A_223 : memref<1x4x128xi32, #tpu.memory_space<hbm>> -> memref<4x128xi32, #tpu.memory_space<hbm>>
      tpu.wait_dma2 semaphore(%run_scoped3A_208 : memref<!tpu.dma_semaphore, #tpu.memory_space<semaphore_mem>>) src(%dma_wait3A_224 : memref<4x128xi32, #tpu.memory_space<hbm>>) dst(%arg8 : memref<4x128xi32, #tpu.memory_space<vmem>>)
      tpu.yield
    }) : () -> ()
    "tpu.region"() ({
      %run_scoped3A_208 = tpu.sem_alloc : memref<!tpu.dma_semaphore, #tpu.memory_space<semaphore_mem>>
      %dma_start3A_209 = arith.constant 0 : i32
      %dma_start3A_210 = arith.constant 0 : i32
      %dma_start3A_211 = tpu.memref_slice %arg3[%add3A, %dma_start3A_209, %dma_start3A_210] : memref<32x4x128xi32, #tpu.memory_space<hbm>> -> memref<1x4x128xi32, #tpu.memory_space<hbm>>
      %dma_start3A_212 = tpu.memref_squeeze %dma_start3A_211 : memref<1x4x128xi32, #tpu.memory_space<hbm>> -> memref<4x128xi32, #tpu.memory_space<hbm>>
      %dma_start3A_213 = arith.constant 0 : i32
      %dma_start3A_214 = arith.constant 0 : i32
      %dma_start3A_215 = tpu.memref_slice %arg3[%add3A, %dma_start3A_213, %dma_start3A_214] : memref<32x4x128xi32, #tpu.memory_space<hbm>> -> memref<1x4x128xi32, #tpu.memory_space<hbm>>
      %dma_start3A_216 = tpu.memref_squeeze %dma_start3A_215 : memref<1x4x128xi32, #tpu.memory_space<hbm>> -> memref<4x128xi32, #tpu.memory_space<hbm>>
      tpu.enqueue_dma source(%dma_start3A_216 : memref<4x128xi32, #tpu.memory_space<hbm>>) target(%arg9 : memref<4x128xi32, #tpu.memory_space<vmem>>) target_semaphore(%run_scoped3A_208 : memref<!tpu.dma_semaphore, #tpu.memory_space<semaphore_mem>>)
      %dma_wait3A_217 = arith.constant 0 : i32
      %dma_wait3A_218 = arith.constant 0 : i32
      %dma_wait3A_219 = tpu.memref_slice %arg3[%add3A, %dma_wait3A_217, %dma_wait3A_218] : memref<32x4x128xi32, #tpu.memory_space<hbm>> -> memref<1x4x128xi32, #tpu.memory_space<hbm>>
      %dma_wait3A_220 = tpu.memref_squeeze %dma_wait3A_219 : memref<1x4x128xi32, #tpu.memory_space<hbm>> -> memref<4x128xi32, #tpu.memory_space<hbm>>
      %dma_wait3A_221 = arith.constant 0 : i32
      %dma_wait3A_222 = arith.constant 0 : i32
      %dma_wait3A_223 = tpu.memref_slice %arg3[%add3A, %dma_wait3A_221, %dma_wait3A_222] : memref<32x4x128xi32, #tpu.memory_space<hbm>> -> memref<1x4x128xi32, #tpu.memory_space<hbm>>
      %dma_wait3A_224 = tpu.memref_squeeze %dma_wait3A_223 : memref<1x4x128xi32, #tpu.memory_space<hbm>> -> memref<4x128xi32, #tpu.memory_space<hbm>>
      tpu.wait_dma2 semaphore(%run_scoped3A_208 : memref<!tpu.dma_semaphore, #tpu.memory_space<semaphore_mem>>) src(%dma_wait3A_224 : memref<4x128xi32, #tpu.memory_space<hbm>>) dst(%arg9 : memref<4x128xi32, #tpu.memory_space<vmem>>)
      tpu.yield
    }) : () -> ()
    %dma_start3A = arith.constant 0 : i32
    %dma_start3A_3 = arith.constant 0 : i32
    %dma_start3A_4 = arith.constant 0 : i32
    %dma_start3A_5 = arith.constant 0 : i32
    %dma_start3A_6 = tpu.memref_slice %arg10[%dma_start3A_3, %dma_start3A_4, %dma_start3A_5] : memref<2x128x128xf32, #tpu.memory_space<vmem>> -> memref<1x128x128xf32, #tpu.memory_space<vmem>>
    %dma_start3A_7 = tpu.memref_squeeze %dma_start3A_6 : memref<1x128x128xf32, #tpu.memory_space<vmem>> -> memref<128x128xf32, #tpu.memory_space<vmem>>
    %dma_start3A_8 = arith.constant 0 : i32
    %dma_start3A_9 = tpu.memref_slice %arg8[%dma_start3A, %dma_start3A_8] : memref<4x128xi32, #tpu.memory_space<vmem>> -> memref<1x128xi32, #tpu.memory_space<vmem>>
    %dma_start3A_10 = tpu.memref_squeeze %dma_start3A_9 : memref<1x128xi32, #tpu.memory_space<vmem>> -> memref<128xi32, #tpu.memory_space<vmem>>
    %dma_start3A_11 = arith.constant 0 : i32
    %dma_start3A_12 = arith.constant 0 : i32
    %dma_start3A_13 = tpu.memref_slice %arg4[%dma_start3A_11, %dma_start3A_12] : memref<250000x128xf32, #tpu.memory_space<hbm>> -> memref<250000x128xf32, #tpu.memory_space<hbm>>
    tpu.enqueue_indirect_dma source(%dma_start3A_13 : memref<250000x128xf32, #tpu.memory_space<hbm>>) target(%dma_start3A_7 : memref<128x128xf32, #tpu.memory_space<vmem>>) offsets(%dma_start3A_10 : memref<128xi32, #tpu.memory_space<vmem>>) semaphore(%arg12 : memref<!tpu.dma_semaphore, #tpu.memory_space<semaphore_mem>>)
    %dma_start3A_14 = arith.constant 0 : i32
    %dma_start3A_15 = arith.constant 0 : i32
    %dma_start3A_16 = arith.constant 0 : i32
    %dma_start3A_17 = arith.constant 0 : i32
    %dma_start3A_18 = tpu.memref_slice %arg11[%dma_start3A_15, %dma_start3A_16, %dma_start3A_17] : memref<2x128x128xf32, #tpu.memory_space<vmem>> -> memref<1x128x128xf32, #tpu.memory_space<vmem>>
    %dma_start3A_19 = tpu.memref_squeeze %dma_start3A_18 : memref<1x128x128xf32, #tpu.memory_space<vmem>> -> memref<128x128xf32, #tpu.memory_space<vmem>>
    %dma_start3A_20 = arith.constant 0 : i32
    %dma_start3A_21 = tpu.memref_slice %arg9[%dma_start3A_14, %dma_start3A_20] : memref<4x128xi32, #tpu.memory_space<vmem>> -> memref<1x128xi32, #tpu.memory_space<vmem>>
    %dma_start3A_22 = tpu.memref_squeeze %dma_start3A_21 : memref<1x128xi32, #tpu.memory_space<vmem>> -> memref<128xi32, #tpu.memory_space<vmem>>
    %dma_start3A_23 = arith.constant 0 : i32
    %dma_start3A_24 = arith.constant 0 : i32
    %dma_start3A_25 = tpu.memref_slice %arg5[%dma_start3A_23, %dma_start3A_24] : memref<50000x128xf32, #tpu.memory_space<hbm>> -> memref<50000x128xf32, #tpu.memory_space<hbm>>
    tpu.enqueue_indirect_dma source(%dma_start3A_25 : memref<50000x128xf32, #tpu.memory_space<hbm>>) target(%dma_start3A_19 : memref<128x128xf32, #tpu.memory_space<vmem>>) offsets(%dma_start3A_22 : memref<128xi32, #tpu.memory_space<vmem>>) semaphore(%arg12 : memref<!tpu.dma_semaphore, #tpu.memory_space<semaphore_mem>>)
    %dma_start3A_26 = arith.constant 1 : i32
    %dma_start3A_27 = arith.constant 1 : i32
    %dma_start3A_28 = arith.constant 0 : i32
    %dma_start3A_29 = arith.constant 0 : i32
    %dma_start3A_30 = tpu.memref_slice %arg10[%dma_start3A_27, %dma_start3A_28, %dma_start3A_29] : memref<2x128x128xf32, #tpu.memory_space<vmem>> -> memref<1x128x128xf32, #tpu.memory_space<vmem>>
    %dma_start3A_31 = tpu.memref_squeeze %dma_start3A_30 : memref<1x128x128xf32, #tpu.memory_space<vmem>> -> memref<128x128xf32, #tpu.memory_space<vmem>>
    %dma_start3A_32 = arith.constant 0 : i32
    %dma_start3A_33 = tpu.memref_slice %arg8[%dma_start3A_26, %dma_start3A_32] : memref<4x128xi32, #tpu.memory_space<vmem>> -> memref<1x128xi32, #tpu.memory_space<vmem>>
    %dma_start3A_34 = tpu.memref_squeeze %dma_start3A_33 : memref<1x128xi32, #tpu.memory_space<vmem>> -> memref<128xi32, #tpu.memory_space<vmem>>
    %dma_start3A_35 = arith.constant 0 : i32
    %dma_start3A_36 = arith.constant 0 : i32
    %dma_start3A_37 = tpu.memref_slice %arg4[%dma_start3A_35, %dma_start3A_36] : memref<250000x128xf32, #tpu.memory_space<hbm>> -> memref<250000x128xf32, #tpu.memory_space<hbm>>
    tpu.enqueue_indirect_dma source(%dma_start3A_37 : memref<250000x128xf32, #tpu.memory_space<hbm>>) target(%dma_start3A_31 : memref<128x128xf32, #tpu.memory_space<vmem>>) offsets(%dma_start3A_34 : memref<128xi32, #tpu.memory_space<vmem>>) semaphore(%arg12 : memref<!tpu.dma_semaphore, #tpu.memory_space<semaphore_mem>>)
    %dma_start3A_38 = arith.constant 1 : i32
    %dma_start3A_39 = arith.constant 1 : i32
    %dma_start3A_40 = arith.constant 0 : i32
    %dma_start3A_41 = arith.constant 0 : i32
    %dma_start3A_42 = tpu.memref_slice %arg11[%dma_start3A_39, %dma_start3A_40, %dma_start3A_41] : memref<2x128x128xf32, #tpu.memory_space<vmem>> -> memref<1x128x128xf32, #tpu.memory_space<vmem>>
    %dma_start3A_43 = tpu.memref_squeeze %dma_start3A_42 : memref<1x128x128xf32, #tpu.memory_space<vmem>> -> memref<128x128xf32, #tpu.memory_space<vmem>>
    %dma_start3A_44 = arith.constant 0 : i32
    %dma_start3A_45 = tpu.memref_slice %arg9[%dma_start3A_38, %dma_start3A_44] : memref<4x128xi32, #tpu.memory_space<vmem>> -> memref<1x128xi32, #tpu.memory_space<vmem>>
    %dma_start3A_46 = tpu.memref_squeeze %dma_start3A_45 : memref<1x128xi32, #tpu.memory_space<vmem>> -> memref<128xi32, #tpu.memory_space<vmem>>
    %dma_start3A_47 = arith.constant 0 : i32
    %dma_start3A_48 = arith.constant 0 : i32
    %dma_start3A_49 = tpu.memref_slice %arg5[%dma_start3A_47, %dma_start3A_48] : memref<50000x128xf32, #tpu.memory_space<hbm>> -> memref<50000x128xf32, #tpu.memory_space<hbm>>
    tpu.enqueue_indirect_dma source(%dma_start3A_49 : memref<50000x128xf32, #tpu.memory_space<hbm>>) target(%dma_start3A_43 : memref<128x128xf32, #tpu.memory_space<vmem>>) offsets(%dma_start3A_46 : memref<128xi32, #tpu.memory_space<vmem>>) semaphore(%arg12 : memref<!tpu.dma_semaphore, #tpu.memory_space<semaphore_mem>>)
    %dma_wait3A = arith.constant 0 : i32
    %dma_wait3A_50 = arith.constant 0 : i32
    %dma_wait3A_51 = arith.constant 0 : i32
    %dma_wait3A_52 = arith.constant 0 : i32
    %dma_wait3A_53 = tpu.memref_slice %arg10[%dma_wait3A_50, %dma_wait3A_51, %dma_wait3A_52] : memref<2x128x128xf32, #tpu.memory_space<vmem>> -> memref<1x128x128xf32, #tpu.memory_space<vmem>>
    %dma_wait3A_54 = tpu.memref_squeeze %dma_wait3A_53 : memref<1x128x128xf32, #tpu.memory_space<vmem>> -> memref<128x128xf32, #tpu.memory_space<vmem>>
    %dma_wait3A_55 = arith.constant 0 : i32
    %dma_wait3A_56 = tpu.memref_slice %arg8[%dma_wait3A, %dma_wait3A_55] : memref<4x128xi32, #tpu.memory_space<vmem>> -> memref<1x128xi32, #tpu.memory_space<vmem>>
    %dma_wait3A_57 = tpu.memref_squeeze %dma_wait3A_56 : memref<1x128xi32, #tpu.memory_space<vmem>> -> memref<128xi32, #tpu.memory_space<vmem>>
    %dma_wait3A_58 = arith.constant 0 : i32
    %dma_wait3A_59 = arith.constant 0 : i32
    %dma_wait3A_60 = tpu.memref_slice %arg4[%dma_wait3A_58, %dma_wait3A_59] : memref<250000x128xf32, #tpu.memory_space<hbm>> -> memref<250000x128xf32, #tpu.memory_space<hbm>>
    tpu.wait_indirect_dma semaphore(%arg12 : memref<!tpu.dma_semaphore, #tpu.memory_space<semaphore_mem>>) src(%dma_wait3A_60 : memref<250000x128xf32, #tpu.memory_space<hbm>>) dst(%dma_wait3A_54 : memref<128x128xf32, #tpu.memory_space<vmem>>)
    %dma_wait3A_61 = arith.constant 0 : i32
    %dma_wait3A_62 = arith.constant 0 : i32
    %dma_wait3A_63 = arith.constant 0 : i32
    %dma_wait3A_64 = arith.constant 0 : i32
    %dma_wait3A_65 = tpu.memref_slice %arg11[%dma_wait3A_62, %dma_wait3A_63, %dma_wait3A_64] : memref<2x128x128xf32, #tpu.memory_space<vmem>> -> memref<1x128x128xf32, #tpu.memory_space<vmem>>
    %dma_wait3A_66 = tpu.memref_squeeze %dma_wait3A_65 : memref<1x128x128xf32, #tpu.memory_space<vmem>> -> memref<128x128xf32, #tpu.memory_space<vmem>>
    %dma_wait3A_67 = arith.constant 0 : i32
    %dma_wait3A_68 = tpu.memref_slice %arg9[%dma_wait3A_61, %dma_wait3A_67] : memref<4x128xi32, #tpu.memory_space<vmem>> -> memref<1x128xi32, #tpu.memory_space<vmem>>
    %dma_wait3A_69 = tpu.memref_squeeze %dma_wait3A_68 : memref<1x128xi32, #tpu.memory_space<vmem>> -> memref<128xi32, #tpu.memory_space<vmem>>
    %dma_wait3A_70 = arith.constant 0 : i32
    %dma_wait3A_71 = arith.constant 0 : i32
    %dma_wait3A_72 = tpu.memref_slice %arg5[%dma_wait3A_70, %dma_wait3A_71] : memref<50000x128xf32, #tpu.memory_space<hbm>> -> memref<50000x128xf32, #tpu.memory_space<hbm>>
    tpu.wait_indirect_dma semaphore(%arg12 : memref<!tpu.dma_semaphore, #tpu.memory_space<semaphore_mem>>) src(%dma_wait3A_72 : memref<50000x128xf32, #tpu.memory_space<hbm>>) dst(%dma_wait3A_66 : memref<128x128xf32, #tpu.memory_space<vmem>>)
    %add3A_73 = arith.constant 0 : i32
    %add3A_74 = arith.addi %mul3A_2, %add3A_73 : i32
    %run_scoped3A = arith.constant 0 : i32
    "tpu.region"() ({
      %run_scoped3A_208 = tpu.sem_alloc : memref<!tpu.dma_semaphore, #tpu.memory_space<semaphore_mem>>
      %dma_start3A_209 = arith.constant 0 : i32
      %dma_start3A_210 = arith.constant 0 : i32
      %dma_start3A_211 = tpu.memref_slice %arg10[%run_scoped3A, %dma_start3A_209, %dma_start3A_210] : memref<2x128x128xf32, #tpu.memory_space<vmem>> -> memref<1x128x128xf32, #tpu.memory_space<vmem>>
      %dma_start3A_212 = tpu.memref_squeeze %dma_start3A_211 : memref<1x128x128xf32, #tpu.memory_space<vmem>> -> memref<128x128xf32, #tpu.memory_space<vmem>>
      %dma_start3A_213 = arith.constant 0 : i32
      %dma_start3A_214 = tpu.memref_slice %arg6[%add3A_74, %dma_start3A_213] : memref<16384x128xf32, #tpu.memory_space<hbm>> -> memref<128x128xf32, #tpu.memory_space<hbm>>
      %dma_start3A_215 = arith.constant 0 : i32
      %dma_start3A_216 = tpu.memref_slice %arg6[%add3A_74, %dma_start3A_215] : memref<16384x128xf32, #tpu.memory_space<hbm>> -> memref<128x128xf32, #tpu.memory_space<hbm>>
      %dma_start3A_217 = arith.constant 0 : i32
      %dma_start3A_218 = arith.constant 0 : i32
      %dma_start3A_219 = tpu.memref_slice %arg10[%run_scoped3A, %dma_start3A_217, %dma_start3A_218] : memref<2x128x128xf32, #tpu.memory_space<vmem>> -> memref<1x128x128xf32, #tpu.memory_space<vmem>>
      %dma_start3A_220 = tpu.memref_squeeze %dma_start3A_219 : memref<1x128x128xf32, #tpu.memory_space<vmem>> -> memref<128x128xf32, #tpu.memory_space<vmem>>
      tpu.enqueue_dma source(%dma_start3A_220 : memref<128x128xf32, #tpu.memory_space<vmem>>) target(%dma_start3A_216 : memref<128x128xf32, #tpu.memory_space<hbm>>) target_semaphore(%run_scoped3A_208 : memref<!tpu.dma_semaphore, #tpu.memory_space<semaphore_mem>>)
      %dma_wait3A_221 = arith.constant 0 : i32
      %dma_wait3A_222 = arith.constant 0 : i32
      %dma_wait3A_223 = tpu.memref_slice %arg10[%run_scoped3A, %dma_wait3A_221, %dma_wait3A_222] : memref<2x128x128xf32, #tpu.memory_space<vmem>> -> memref<1x128x128xf32, #tpu.memory_space<vmem>>
      %dma_wait3A_224 = tpu.memref_squeeze %dma_wait3A_223 : memref<1x128x128xf32, #tpu.memory_space<vmem>> -> memref<128x128xf32, #tpu.memory_space<vmem>>
      %dma_wait3A_225 = arith.constant 0 : i32
      %dma_wait3A_226 = tpu.memref_slice %arg6[%add3A_74, %dma_wait3A_225] : memref<16384x128xf32, #tpu.memory_space<hbm>> -> memref<128x128xf32, #tpu.memory_space<hbm>>
      %dma_wait3A_227 = arith.constant 0 : i32
      %dma_wait3A_228 = tpu.memref_slice %arg6[%add3A_74, %dma_wait3A_227] : memref<16384x128xf32, #tpu.memory_space<hbm>> -> memref<128x128xf32, #tpu.memory_space<hbm>>
      %dma_wait3A_229 = arith.constant 0 : i32
      %dma_wait3A_230 = arith.constant 0 : i32
      %dma_wait3A_231 = tpu.memref_slice %arg10[%run_scoped3A, %dma_wait3A_229, %dma_wait3A_230] : memref<2x128x128xf32, #tpu.memory_space<vmem>> -> memref<1x128x128xf32, #tpu.memory_space<vmem>>
      %dma_wait3A_232 = tpu.memref_squeeze %dma_wait3A_231 : memref<1x128x128xf32, #tpu.memory_space<vmem>> -> memref<128x128xf32, #tpu.memory_space<vmem>>
      tpu.wait_dma2 semaphore(%run_scoped3A_208 : memref<!tpu.dma_semaphore, #tpu.memory_space<semaphore_mem>>) src(%dma_wait3A_232 : memref<128x128xf32, #tpu.memory_space<vmem>>) dst(%dma_wait3A_228 : memref<128x128xf32, #tpu.memory_space<hbm>>)
      tpu.yield
    }) : () -> ()
    %run_scoped3A_75 = arith.constant 0 : i32
    "tpu.region"() ({
      %run_scoped3A_208 = tpu.sem_alloc : memref<!tpu.dma_semaphore, #tpu.memory_space<semaphore_mem>>
      %dma_start3A_209 = arith.constant 0 : i32
      %dma_start3A_210 = arith.constant 0 : i32
      %dma_start3A_211 = tpu.memref_slice %arg11[%run_scoped3A_75, %dma_start3A_209, %dma_start3A_210] : memref<2x128x128xf32, #tpu.memory_space<vmem>> -> memref<1x128x128xf32, #tpu.memory_space<vmem>>
      %dma_start3A_212 = tpu.memref_squeeze %dma_start3A_211 : memref<1x128x128xf32, #tpu.memory_space<vmem>> -> memref<128x128xf32, #tpu.memory_space<vmem>>
      %dma_start3A_213 = arith.constant 0 : i32
      %dma_start3A_214 = tpu.memref_slice %arg7[%add3A_74, %dma_start3A_213] : memref<16384x128xf32, #tpu.memory_space<hbm>> -> memref<128x128xf32, #tpu.memory_space<hbm>>
      %dma_start3A_215 = arith.constant 0 : i32
      %dma_start3A_216 = tpu.memref_slice %arg7[%add3A_74, %dma_start3A_215] : memref<16384x128xf32, #tpu.memory_space<hbm>> -> memref<128x128xf32, #tpu.memory_space<hbm>>
      %dma_start3A_217 = arith.constant 0 : i32
      %dma_start3A_218 = arith.constant 0 : i32
      %dma_start3A_219 = tpu.memref_slice %arg11[%run_scoped3A_75, %dma_start3A_217, %dma_start3A_218] : memref<2x128x128xf32, #tpu.memory_space<vmem>> -> memref<1x128x128xf32, #tpu.memory_space<vmem>>
      %dma_start3A_220 = tpu.memref_squeeze %dma_start3A_219 : memref<1x128x128xf32, #tpu.memory_space<vmem>> -> memref<128x128xf32, #tpu.memory_space<vmem>>
      tpu.enqueue_dma source(%dma_start3A_220 : memref<128x128xf32, #tpu.memory_space<vmem>>) target(%dma_start3A_216 : memref<128x128xf32, #tpu.memory_space<hbm>>) target_semaphore(%run_scoped3A_208 : memref<!tpu.dma_semaphore, #tpu.memory_space<semaphore_mem>>)
      %dma_wait3A_221 = arith.constant 0 : i32
      %dma_wait3A_222 = arith.constant 0 : i32
      %dma_wait3A_223 = tpu.memref_slice %arg11[%run_scoped3A_75, %dma_wait3A_221, %dma_wait3A_222] : memref<2x128x128xf32, #tpu.memory_space<vmem>> -> memref<1x128x128xf32, #tpu.memory_space<vmem>>
      %dma_wait3A_224 = tpu.memref_squeeze %dma_wait3A_223 : memref<1x128x128xf32, #tpu.memory_space<vmem>> -> memref<128x128xf32, #tpu.memory_space<vmem>>
      %dma_wait3A_225 = arith.constant 0 : i32
      %dma_wait3A_226 = tpu.memref_slice %arg7[%add3A_74, %dma_wait3A_225] : memref<16384x128xf32, #tpu.memory_space<hbm>> -> memref<128x128xf32, #tpu.memory_space<hbm>>
      %dma_wait3A_227 = arith.constant 0 : i32
      %dma_wait3A_228 = tpu.memref_slice %arg7[%add3A_74, %dma_wait3A_227] : memref<16384x128xf32, #tpu.memory_space<hbm>> -> memref<128x128xf32, #tpu.memory_space<hbm>>
      %dma_wait3A_229 = arith.constant 0 : i32
      %dma_wait3A_230 = arith.constant 0 : i32
      %dma_wait3A_231 = tpu.memref_slice %arg11[%run_scoped3A_75, %dma_wait3A_229, %dma_wait3A_230] : memref<2x128x128xf32, #tpu.memory_space<vmem>> -> memref<1x128x128xf32, #tpu.memory_space<vmem>>
      %dma_wait3A_232 = tpu.memref_squeeze %dma_wait3A_231 : memref<1x128x128xf32, #tpu.memory_space<vmem>> -> memref<128x128xf32, #tpu.memory_space<vmem>>
      tpu.wait_dma2 semaphore(%run_scoped3A_208 : memref<!tpu.dma_semaphore, #tpu.memory_space<semaphore_mem>>) src(%dma_wait3A_232 : memref<128x128xf32, #tpu.memory_space<vmem>>) dst(%dma_wait3A_228 : memref<128x128xf32, #tpu.memory_space<hbm>>)
      tpu.yield
    }) : () -> ()
    %dma_start3A_76 = arith.constant 2 : i32
    %dma_start3A_77 = arith.constant 0 : i32
    %dma_start3A_78 = arith.constant 0 : i32
    %dma_start3A_79 = arith.constant 0 : i32
    %dma_start3A_80 = tpu.memref_slice %arg10[%dma_start3A_77, %dma_start3A_78, %dma_start3A_79] : memref<2x128x128xf32, #tpu.memory_space<vmem>> -> memref<1x128x128xf32, #tpu.memory_space<vmem>>
    %dma_start3A_81 = tpu.memref_squeeze %dma_start3A_80 : memref<1x128x128xf32, #tpu.memory_space<vmem>> -> memref<128x128xf32, #tpu.memory_space<vmem>>
    %dma_start3A_82 = arith.constant 0 : i32
    %dma_start3A_83 = tpu.memref_slice %arg8[%dma_start3A_76, %dma_start3A_82] : memref<4x128xi32, #tpu.memory_space<vmem>> -> memref<1x128xi32, #tpu.memory_space<vmem>>
    %dma_start3A_84 = tpu.memref_squeeze %dma_start3A_83 : memref<1x128xi32, #tpu.memory_space<vmem>> -> memref<128xi32, #tpu.memory_space<vmem>>
    %dma_start3A_85 = arith.constant 0 : i32
    %dma_start3A_86 = arith.constant 0 : i32
    %dma_start3A_87 = tpu.memref_slice %arg4[%dma_start3A_85, %dma_start3A_86] : memref<250000x128xf32, #tpu.memory_space<hbm>> -> memref<250000x128xf32, #tpu.memory_space<hbm>>
    tpu.enqueue_indirect_dma source(%dma_start3A_87 : memref<250000x128xf32, #tpu.memory_space<hbm>>) target(%dma_start3A_81 : memref<128x128xf32, #tpu.memory_space<vmem>>) offsets(%dma_start3A_84 : memref<128xi32, #tpu.memory_space<vmem>>) semaphore(%arg12 : memref<!tpu.dma_semaphore, #tpu.memory_space<semaphore_mem>>)
    %dma_start3A_88 = arith.constant 2 : i32
    %dma_start3A_89 = arith.constant 0 : i32
    %dma_start3A_90 = arith.constant 0 : i32
    %dma_start3A_91 = arith.constant 0 : i32
    %dma_start3A_92 = tpu.memref_slice %arg11[%dma_start3A_89, %dma_start3A_90, %dma_start3A_91] : memref<2x128x128xf32, #tpu.memory_space<vmem>> -> memref<1x128x128xf32, #tpu.memory_space<vmem>>
    %dma_start3A_93 = tpu.memref_squeeze %dma_start3A_92 : memref<1x128x128xf32, #tpu.memory_space<vmem>> -> memref<128x128xf32, #tpu.memory_space<vmem>>
    %dma_start3A_94 = arith.constant 0 : i32
    %dma_start3A_95 = tpu.memref_slice %arg9[%dma_start3A_88, %dma_start3A_94] : memref<4x128xi32, #tpu.memory_space<vmem>> -> memref<1x128xi32, #tpu.memory_space<vmem>>
    %dma_start3A_96 = tpu.memref_squeeze %dma_start3A_95 : memref<1x128xi32, #tpu.memory_space<vmem>> -> memref<128xi32, #tpu.memory_space<vmem>>
    %dma_start3A_97 = arith.constant 0 : i32
    %dma_start3A_98 = arith.constant 0 : i32
    %dma_start3A_99 = tpu.memref_slice %arg5[%dma_start3A_97, %dma_start3A_98] : memref<50000x128xf32, #tpu.memory_space<hbm>> -> memref<50000x128xf32, #tpu.memory_space<hbm>>
    tpu.enqueue_indirect_dma source(%dma_start3A_99 : memref<50000x128xf32, #tpu.memory_space<hbm>>) target(%dma_start3A_93 : memref<128x128xf32, #tpu.memory_space<vmem>>) offsets(%dma_start3A_96 : memref<128xi32, #tpu.memory_space<vmem>>) semaphore(%arg12 : memref<!tpu.dma_semaphore, #tpu.memory_space<semaphore_mem>>)
    %dma_wait3A_100 = arith.constant 1 : i32
    %dma_wait3A_101 = arith.constant 1 : i32
    %dma_wait3A_102 = arith.constant 0 : i32
    %dma_wait3A_103 = arith.constant 0 : i32
    %dma_wait3A_104 = tpu.memref_slice %arg10[%dma_wait3A_101, %dma_wait3A_102, %dma_wait3A_103] : memref<2x128x128xf32, #tpu.memory_space<vmem>> -> memref<1x128x128xf32, #tpu.memory_space<vmem>>
    %dma_wait3A_105 = tpu.memref_squeeze %dma_wait3A_104 : memref<1x128x128xf32, #tpu.memory_space<vmem>> -> memref<128x128xf32, #tpu.memory_space<vmem>>
    %dma_wait3A_106 = arith.constant 0 : i32
    %dma_wait3A_107 = tpu.memref_slice %arg8[%dma_wait3A_100, %dma_wait3A_106] : memref<4x128xi32, #tpu.memory_space<vmem>> -> memref<1x128xi32, #tpu.memory_space<vmem>>
    %dma_wait3A_108 = tpu.memref_squeeze %dma_wait3A_107 : memref<1x128xi32, #tpu.memory_space<vmem>> -> memref<128xi32, #tpu.memory_space<vmem>>
    %dma_wait3A_109 = arith.constant 0 : i32
    %dma_wait3A_110 = arith.constant 0 : i32
    %dma_wait3A_111 = tpu.memref_slice %arg4[%dma_wait3A_109, %dma_wait3A_110] : memref<250000x128xf32, #tpu.memory_space<hbm>> -> memref<250000x128xf32, #tpu.memory_space<hbm>>
    tpu.wait_indirect_dma semaphore(%arg12 : memref<!tpu.dma_semaphore, #tpu.memory_space<semaphore_mem>>) src(%dma_wait3A_111 : memref<250000x128xf32, #tpu.memory_space<hbm>>) dst(%dma_wait3A_105 : memref<128x128xf32, #tpu.memory_space<vmem>>)
    %dma_wait3A_112 = arith.constant 1 : i32
    %dma_wait3A_113 = arith.constant 1 : i32
    %dma_wait3A_114 = arith.constant 0 : i32
    %dma_wait3A_115 = arith.constant 0 : i32
    %dma_wait3A_116 = tpu.memref_slice %arg11[%dma_wait3A_113, %dma_wait3A_114, %dma_wait3A_115] : memref<2x128x128xf32, #tpu.memory_space<vmem>> -> memref<1x128x128xf32, #tpu.memory_space<vmem>>
    %dma_wait3A_117 = tpu.memref_squeeze %dma_wait3A_116 : memref<1x128x128xf32, #tpu.memory_space<vmem>> -> memref<128x128xf32, #tpu.memory_space<vmem>>
    %dma_wait3A_118 = arith.constant 0 : i32
    %dma_wait3A_119 = tpu.memref_slice %arg9[%dma_wait3A_112, %dma_wait3A_118] : memref<4x128xi32, #tpu.memory_space<vmem>> -> memref<1x128xi32, #tpu.memory_space<vmem>>
    %dma_wait3A_120 = tpu.memref_squeeze %dma_wait3A_119 : memref<1x128xi32, #tpu.memory_space<vmem>> -> memref<128xi32, #tpu.memory_space<vmem>>
    %dma_wait3A_121 = arith.constant 0 : i32
    %dma_wait3A_122 = arith.constant 0 : i32
    %dma_wait3A_123 = tpu.memref_slice %arg5[%dma_wait3A_121, %dma_wait3A_122] : memref<50000x128xf32, #tpu.memory_space<hbm>> -> memref<50000x128xf32, #tpu.memory_space<hbm>>
    tpu.wait_indirect_dma semaphore(%arg12 : memref<!tpu.dma_semaphore, #tpu.memory_space<semaphore_mem>>) src(%dma_wait3A_123 : memref<50000x128xf32, #tpu.memory_space<hbm>>) dst(%dma_wait3A_117 : memref<128x128xf32, #tpu.memory_space<vmem>>)
    %add3A_124 = arith.constant 128 : i32
    %add3A_125 = arith.addi %mul3A_2, %add3A_124 : i32
    %run_scoped3A_126 = arith.constant 1 : i32
    "tpu.region"() ({
      %run_scoped3A_208 = tpu.sem_alloc : memref<!tpu.dma_semaphore, #tpu.memory_space<semaphore_mem>>
      %dma_start3A_209 = arith.constant 0 : i32
      %dma_start3A_210 = arith.constant 0 : i32
      %dma_start3A_211 = tpu.memref_slice %arg10[%run_scoped3A_126, %dma_start3A_209, %dma_start3A_210] : memref<2x128x128xf32, #tpu.memory_space<vmem>> -> memref<1x128x128xf32, #tpu.memory_space<vmem>>
      %dma_start3A_212 = tpu.memref_squeeze %dma_start3A_211 : memref<1x128x128xf32, #tpu.memory_space<vmem>> -> memref<128x128xf32, #tpu.memory_space<vmem>>
      %dma_start3A_213 = arith.constant 0 : i32
      %dma_start3A_214 = tpu.memref_slice %arg6[%add3A_125, %dma_start3A_213] : memref<16384x128xf32, #tpu.memory_space<hbm>> -> memref<128x128xf32, #tpu.memory_space<hbm>>
      %dma_start3A_215 = arith.constant 0 : i32
      %dma_start3A_216 = tpu.memref_slice %arg6[%add3A_125, %dma_start3A_215] : memref<16384x128xf32, #tpu.memory_space<hbm>> -> memref<128x128xf32, #tpu.memory_space<hbm>>
      %dma_start3A_217 = arith.constant 0 : i32
      %dma_start3A_218 = arith.constant 0 : i32
      %dma_start3A_219 = tpu.memref_slice %arg10[%run_scoped3A_126, %dma_start3A_217, %dma_start3A_218] : memref<2x128x128xf32, #tpu.memory_space<vmem>> -> memref<1x128x128xf32, #tpu.memory_space<vmem>>
      %dma_start3A_220 = tpu.memref_squeeze %dma_start3A_219 : memref<1x128x128xf32, #tpu.memory_space<vmem>> -> memref<128x128xf32, #tpu.memory_space<vmem>>
      tpu.enqueue_dma source(%dma_start3A_220 : memref<128x128xf32, #tpu.memory_space<vmem>>) target(%dma_start3A_216 : memref<128x128xf32, #tpu.memory_space<hbm>>) target_semaphore(%run_scoped3A_208 : memref<!tpu.dma_semaphore, #tpu.memory_space<semaphore_mem>>)
      %dma_wait3A_221 = arith.constant 0 : i32
      %dma_wait3A_222 = arith.constant 0 : i32
      %dma_wait3A_223 = tpu.memref_slice %arg10[%run_scoped3A_126, %dma_wait3A_221, %dma_wait3A_222] : memref<2x128x128xf32, #tpu.memory_space<vmem>> -> memref<1x128x128xf32, #tpu.memory_space<vmem>>
      %dma_wait3A_224 = tpu.memref_squeeze %dma_wait3A_223 : memref<1x128x128xf32, #tpu.memory_space<vmem>> -> memref<128x128xf32, #tpu.memory_space<vmem>>
      %dma_wait3A_225 = arith.constant 0 : i32
      %dma_wait3A_226 = tpu.memref_slice %arg6[%add3A_125, %dma_wait3A_225] : memref<16384x128xf32, #tpu.memory_space<hbm>> -> memref<128x128xf32, #tpu.memory_space<hbm>>
      %dma_wait3A_227 = arith.constant 0 : i32
      %dma_wait3A_228 = tpu.memref_slice %arg6[%add3A_125, %dma_wait3A_227] : memref<16384x128xf32, #tpu.memory_space<hbm>> -> memref<128x128xf32, #tpu.memory_space<hbm>>
      %dma_wait3A_229 = arith.constant 0 : i32
      %dma_wait3A_230 = arith.constant 0 : i32
      %dma_wait3A_231 = tpu.memref_slice %arg10[%run_scoped3A_126, %dma_wait3A_229, %dma_wait3A_230] : memref<2x128x128xf32, #tpu.memory_space<vmem>> -> memref<1x128x128xf32, #tpu.memory_space<vmem>>
      %dma_wait3A_232 = tpu.memref_squeeze %dma_wait3A_231 : memref<1x128x128xf32, #tpu.memory_space<vmem>> -> memref<128x128xf32, #tpu.memory_space<vmem>>
      tpu.wait_dma2 semaphore(%run_scoped3A_208 : memref<!tpu.dma_semaphore, #tpu.memory_space<semaphore_mem>>) src(%dma_wait3A_232 : memref<128x128xf32, #tpu.memory_space<vmem>>) dst(%dma_wait3A_228 : memref<128x128xf32, #tpu.memory_space<hbm>>)
      tpu.yield
    }) : () -> ()
    %run_scoped3A_127 = arith.constant 1 : i32
    "tpu.region"() ({
      %run_scoped3A_208 = tpu.sem_alloc : memref<!tpu.dma_semaphore, #tpu.memory_space<semaphore_mem>>
      %dma_start3A_209 = arith.constant 0 : i32
      %dma_start3A_210 = arith.constant 0 : i32
      %dma_start3A_211 = tpu.memref_slice %arg11[%run_scoped3A_127, %dma_start3A_209, %dma_start3A_210] : memref<2x128x128xf32, #tpu.memory_space<vmem>> -> memref<1x128x128xf32, #tpu.memory_space<vmem>>
      %dma_start3A_212 = tpu.memref_squeeze %dma_start3A_211 : memref<1x128x128xf32, #tpu.memory_space<vmem>> -> memref<128x128xf32, #tpu.memory_space<vmem>>
      %dma_start3A_213 = arith.constant 0 : i32
      %dma_start3A_214 = tpu.memref_slice %arg7[%add3A_125, %dma_start3A_213] : memref<16384x128xf32, #tpu.memory_space<hbm>> -> memref<128x128xf32, #tpu.memory_space<hbm>>
      %dma_start3A_215 = arith.constant 0 : i32
      %dma_start3A_216 = tpu.memref_slice %arg7[%add3A_125, %dma_start3A_215] : memref<16384x128xf32, #tpu.memory_space<hbm>> -> memref<128x128xf32, #tpu.memory_space<hbm>>
      %dma_start3A_217 = arith.constant 0 : i32
      %dma_start3A_218 = arith.constant 0 : i32
      %dma_start3A_219 = tpu.memref_slice %arg11[%run_scoped3A_127, %dma_start3A_217, %dma_start3A_218] : memref<2x128x128xf32, #tpu.memory_space<vmem>> -> memref<1x128x128xf32, #tpu.memory_space<vmem>>
      %dma_start3A_220 = tpu.memref_squeeze %dma_start3A_219 : memref<1x128x128xf32, #tpu.memory_space<vmem>> -> memref<128x128xf32, #tpu.memory_space<vmem>>
      tpu.enqueue_dma source(%dma_start3A_220 : memref<128x128xf32, #tpu.memory_space<vmem>>) target(%dma_start3A_216 : memref<128x128xf32, #tpu.memory_space<hbm>>) target_semaphore(%run_scoped3A_208 : memref<!tpu.dma_semaphore, #tpu.memory_space<semaphore_mem>>)
      %dma_wait3A_221 = arith.constant 0 : i32
      %dma_wait3A_222 = arith.constant 0 : i32
      %dma_wait3A_223 = tpu.memref_slice %arg11[%run_scoped3A_127, %dma_wait3A_221, %dma_wait3A_222] : memref<2x128x128xf32, #tpu.memory_space<vmem>> -> memref<1x128x128xf32, #tpu.memory_space<vmem>>
      %dma_wait3A_224 = tpu.memref_squeeze %dma_wait3A_223 : memref<1x128x128xf32, #tpu.memory_space<vmem>> -> memref<128x128xf32, #tpu.memory_space<vmem>>
      %dma_wait3A_225 = arith.constant 0 : i32
      %dma_wait3A_226 = tpu.memref_slice %arg7[%add3A_125, %dma_wait3A_225] : memref<16384x128xf32, #tpu.memory_space<hbm>> -> memref<128x128xf32, #tpu.memory_space<hbm>>
      %dma_wait3A_227 = arith.constant 0 : i32
      %dma_wait3A_228 = tpu.memref_slice %arg7[%add3A_125, %dma_wait3A_227] : memref<16384x128xf32, #tpu.memory_space<hbm>> -> memref<128x128xf32, #tpu.memory_space<hbm>>
      %dma_wait3A_229 = arith.constant 0 : i32
      %dma_wait3A_230 = arith.constant 0 : i32
      %dma_wait3A_231 = tpu.memref_slice %arg11[%run_scoped3A_127, %dma_wait3A_229, %dma_wait3A_230] : memref<2x128x128xf32, #tpu.memory_space<vmem>> -> memref<1x128x128xf32, #tpu.memory_space<vmem>>
      %dma_wait3A_232 = tpu.memref_squeeze %dma_wait3A_231 : memref<1x128x128xf32, #tpu.memory_space<vmem>> -> memref<128x128xf32, #tpu.memory_space<vmem>>
      tpu.wait_dma2 semaphore(%run_scoped3A_208 : memref<!tpu.dma_semaphore, #tpu.memory_space<semaphore_mem>>) src(%dma_wait3A_232 : memref<128x128xf32, #tpu.memory_space<vmem>>) dst(%dma_wait3A_228 : memref<128x128xf32, #tpu.memory_space<hbm>>)
      tpu.yield
    }) : () -> ()
    %dma_start3A_128 = arith.constant 3 : i32
    %dma_start3A_129 = arith.constant 1 : i32
    %dma_start3A_130 = arith.constant 0 : i32
    %dma_start3A_131 = arith.constant 0 : i32
    %dma_start3A_132 = tpu.memref_slice %arg10[%dma_start3A_129, %dma_start3A_130, %dma_start3A_131] : memref<2x128x128xf32, #tpu.memory_space<vmem>> -> memref<1x128x128xf32, #tpu.memory_space<vmem>>
    %dma_start3A_133 = tpu.memref_squeeze %dma_start3A_132 : memref<1x128x128xf32, #tpu.memory_space<vmem>> -> memref<128x128xf32, #tpu.memory_space<vmem>>
    %dma_start3A_134 = arith.constant 0 : i32
    %dma_start3A_135 = tpu.memref_slice %arg8[%dma_start3A_128, %dma_start3A_134] : memref<4x128xi32, #tpu.memory_space<vmem>> -> memref<1x128xi32, #tpu.memory_space<vmem>>
    %dma_start3A_136 = tpu.memref_squeeze %dma_start3A_135 : memref<1x128xi32, #tpu.memory_space<vmem>> -> memref<128xi32, #tpu.memory_space<vmem>>
    %dma_start3A_137 = arith.constant 0 : i32
    %dma_start3A_138 = arith.constant 0 : i32
    %dma_start3A_139 = tpu.memref_slice %arg4[%dma_start3A_137, %dma_start3A_138] : memref<250000x128xf32, #tpu.memory_space<hbm>> -> memref<250000x128xf32, #tpu.memory_space<hbm>>
    tpu.enqueue_indirect_dma source(%dma_start3A_139 : memref<250000x128xf32, #tpu.memory_space<hbm>>) target(%dma_start3A_133 : memref<128x128xf32, #tpu.memory_space<vmem>>) offsets(%dma_start3A_136 : memref<128xi32, #tpu.memory_space<vmem>>) semaphore(%arg12 : memref<!tpu.dma_semaphore, #tpu.memory_space<semaphore_mem>>)
    %dma_start3A_140 = arith.constant 3 : i32
    %dma_start3A_141 = arith.constant 1 : i32
    %dma_start3A_142 = arith.constant 0 : i32
    %dma_start3A_143 = arith.constant 0 : i32
    %dma_start3A_144 = tpu.memref_slice %arg11[%dma_start3A_141, %dma_start3A_142, %dma_start3A_143] : memref<2x128x128xf32, #tpu.memory_space<vmem>> -> memref<1x128x128xf32, #tpu.memory_space<vmem>>
    %dma_start3A_145 = tpu.memref_squeeze %dma_start3A_144 : memref<1x128x128xf32, #tpu.memory_space<vmem>> -> memref<128x128xf32, #tpu.memory_space<vmem>>
    %dma_start3A_146 = arith.constant 0 : i32
    %dma_start3A_147 = tpu.memref_slice %arg9[%dma_start3A_140, %dma_start3A_146] : memref<4x128xi32, #tpu.memory_space<vmem>> -> memref<1x128xi32, #tpu.memory_space<vmem>>
    %dma_start3A_148 = tpu.memref_squeeze %dma_start3A_147 : memref<1x128xi32, #tpu.memory_space<vmem>> -> memref<128xi32, #tpu.memory_space<vmem>>
    %dma_start3A_149 = arith.constant 0 : i32
    %dma_start3A_150 = arith.constant 0 : i32
    %dma_start3A_151 = tpu.memref_slice %arg5[%dma_start3A_149, %dma_start3A_150] : memref<50000x128xf32, #tpu.memory_space<hbm>> -> memref<50000x128xf32, #tpu.memory_space<hbm>>
    tpu.enqueue_indirect_dma source(%dma_start3A_151 : memref<50000x128xf32, #tpu.memory_space<hbm>>) target(%dma_start3A_145 : memref<128x128xf32, #tpu.memory_space<vmem>>) offsets(%dma_start3A_148 : memref<128xi32, #tpu.memory_space<vmem>>) semaphore(%arg12 : memref<!tpu.dma_semaphore, #tpu.memory_space<semaphore_mem>>)
    %dma_wait3A_152 = arith.constant 2 : i32
    %dma_wait3A_153 = arith.constant 0 : i32
    %dma_wait3A_154 = arith.constant 0 : i32
    %dma_wait3A_155 = arith.constant 0 : i32
    %dma_wait3A_156 = tpu.memref_slice %arg10[%dma_wait3A_153, %dma_wait3A_154, %dma_wait3A_155] : memref<2x128x128xf32, #tpu.memory_space<vmem>> -> memref<1x128x128xf32, #tpu.memory_space<vmem>>
    %dma_wait3A_157 = tpu.memref_squeeze %dma_wait3A_156 : memref<1x128x128xf32, #tpu.memory_space<vmem>> -> memref<128x128xf32, #tpu.memory_space<vmem>>
    %dma_wait3A_158 = arith.constant 0 : i32
    %dma_wait3A_159 = tpu.memref_slice %arg8[%dma_wait3A_152, %dma_wait3A_158] : memref<4x128xi32, #tpu.memory_space<vmem>> -> memref<1x128xi32, #tpu.memory_space<vmem>>
    %dma_wait3A_160 = tpu.memref_squeeze %dma_wait3A_159 : memref<1x128xi32, #tpu.memory_space<vmem>> -> memref<128xi32, #tpu.memory_space<vmem>>
    %dma_wait3A_161 = arith.constant 0 : i32
    %dma_wait3A_162 = arith.constant 0 : i32
    %dma_wait3A_163 = tpu.memref_slice %arg4[%dma_wait3A_161, %dma_wait3A_162] : memref<250000x128xf32, #tpu.memory_space<hbm>> -> memref<250000x128xf32, #tpu.memory_space<hbm>>
    tpu.wait_indirect_dma semaphore(%arg12 : memref<!tpu.dma_semaphore, #tpu.memory_space<semaphore_mem>>) src(%dma_wait3A_163 : memref<250000x128xf32, #tpu.memory_space<hbm>>) dst(%dma_wait3A_157 : memref<128x128xf32, #tpu.memory_space<vmem>>)
    %dma_wait3A_164 = arith.constant 2 : i32
    %dma_wait3A_165 = arith.constant 0 : i32
    %dma_wait3A_166 = arith.constant 0 : i32
    %dma_wait3A_167 = arith.constant 0 : i32
    %dma_wait3A_168 = tpu.memref_slice %arg11[%dma_wait3A_165, %dma_wait3A_166, %dma_wait3A_167] : memref<2x128x128xf32, #tpu.memory_space<vmem>> -> memref<1x128x128xf32, #tpu.memory_space<vmem>>
    %dma_wait3A_169 = tpu.memref_squeeze %dma_wait3A_168 : memref<1x128x128xf32, #tpu.memory_space<vmem>> -> memref<128x128xf32, #tpu.memory_space<vmem>>
    %dma_wait3A_170 = arith.constant 0 : i32
    %dma_wait3A_171 = tpu.memref_slice %arg9[%dma_wait3A_164, %dma_wait3A_170] : memref<4x128xi32, #tpu.memory_space<vmem>> -> memref<1x128xi32, #tpu.memory_space<vmem>>
    %dma_wait3A_172 = tpu.memref_squeeze %dma_wait3A_171 : memref<1x128xi32, #tpu.memory_space<vmem>> -> memref<128xi32, #tpu.memory_space<vmem>>
    %dma_wait3A_173 = arith.constant 0 : i32
    %dma_wait3A_174 = arith.constant 0 : i32
    %dma_wait3A_175 = tpu.memref_slice %arg5[%dma_wait3A_173, %dma_wait3A_174] : memref<50000x128xf32, #tpu.memory_space<hbm>> -> memref<50000x128xf32, #tpu.memory_space<hbm>>
    tpu.wait_indirect_dma semaphore(%arg12 : memref<!tpu.dma_semaphore, #tpu.memory_space<semaphore_mem>>) src(%dma_wait3A_175 : memref<50000x128xf32, #tpu.memory_space<hbm>>) dst(%dma_wait3A_169 : memref<128x128xf32, #tpu.memory_space<vmem>>)
    %add3A_176 = arith.constant 256 : i32
    %add3A_177 = arith.addi %mul3A_2, %add3A_176 : i32
    %run_scoped3A_178 = arith.constant 0 : i32
    "tpu.region"() ({
      %run_scoped3A_208 = tpu.sem_alloc : memref<!tpu.dma_semaphore, #tpu.memory_space<semaphore_mem>>
      %dma_start3A_209 = arith.constant 0 : i32
      %dma_start3A_210 = arith.constant 0 : i32
      %dma_start3A_211 = tpu.memref_slice %arg10[%run_scoped3A_178, %dma_start3A_209, %dma_start3A_210] : memref<2x128x128xf32, #tpu.memory_space<vmem>> -> memref<1x128x128xf32, #tpu.memory_space<vmem>>
      %dma_start3A_212 = tpu.memref_squeeze %dma_start3A_211 : memref<1x128x128xf32, #tpu.memory_space<vmem>> -> memref<128x128xf32, #tpu.memory_space<vmem>>
      %dma_start3A_213 = arith.constant 0 : i32
      %dma_start3A_214 = tpu.memref_slice %arg6[%add3A_177, %dma_start3A_213] : memref<16384x128xf32, #tpu.memory_space<hbm>> -> memref<128x128xf32, #tpu.memory_space<hbm>>
      %dma_start3A_215 = arith.constant 0 : i32
      %dma_start3A_216 = tpu.memref_slice %arg6[%add3A_177, %dma_start3A_215] : memref<16384x128xf32, #tpu.memory_space<hbm>> -> memref<128x128xf32, #tpu.memory_space<hbm>>
      %dma_start3A_217 = arith.constant 0 : i32
      %dma_start3A_218 = arith.constant 0 : i32
      %dma_start3A_219 = tpu.memref_slice %arg10[%run_scoped3A_178, %dma_start3A_217, %dma_start3A_218] : memref<2x128x128xf32, #tpu.memory_space<vmem>> -> memref<1x128x128xf32, #tpu.memory_space<vmem>>
      %dma_start3A_220 = tpu.memref_squeeze %dma_start3A_219 : memref<1x128x128xf32, #tpu.memory_space<vmem>> -> memref<128x128xf32, #tpu.memory_space<vmem>>
      tpu.enqueue_dma source(%dma_start3A_220 : memref<128x128xf32, #tpu.memory_space<vmem>>) target(%dma_start3A_216 : memref<128x128xf32, #tpu.memory_space<hbm>>) target_semaphore(%run_scoped3A_208 : memref<!tpu.dma_semaphore, #tpu.memory_space<semaphore_mem>>)
      %dma_wait3A_221 = arith.constant 0 : i32
      %dma_wait3A_222 = arith.constant 0 : i32
      %dma_wait3A_223 = tpu.memref_slice %arg10[%run_scoped3A_178, %dma_wait3A_221, %dma_wait3A_222] : memref<2x128x128xf32, #tpu.memory_space<vmem>> -> memref<1x128x128xf32, #tpu.memory_space<vmem>>
      %dma_wait3A_224 = tpu.memref_squeeze %dma_wait3A_223 : memref<1x128x128xf32, #tpu.memory_space<vmem>> -> memref<128x128xf32, #tpu.memory_space<vmem>>
      %dma_wait3A_225 = arith.constant 0 : i32
      %dma_wait3A_226 = tpu.memref_slice %arg6[%add3A_177, %dma_wait3A_225] : memref<16384x128xf32, #tpu.memory_space<hbm>> -> memref<128x128xf32, #tpu.memory_space<hbm>>
      %dma_wait3A_227 = arith.constant 0 : i32
      %dma_wait3A_228 = tpu.memref_slice %arg6[%add3A_177, %dma_wait3A_227] : memref<16384x128xf32, #tpu.memory_space<hbm>> -> memref<128x128xf32, #tpu.memory_space<hbm>>
      %dma_wait3A_229 = arith.constant 0 : i32
      %dma_wait3A_230 = arith.constant 0 : i32
      %dma_wait3A_231 = tpu.memref_slice %arg10[%run_scoped3A_178, %dma_wait3A_229, %dma_wait3A_230] : memref<2x128x128xf32, #tpu.memory_space<vmem>> -> memref<1x128x128xf32, #tpu.memory_space<vmem>>
      %dma_wait3A_232 = tpu.memref_squeeze %dma_wait3A_231 : memref<1x128x128xf32, #tpu.memory_space<vmem>> -> memref<128x128xf32, #tpu.memory_space<vmem>>
      tpu.wait_dma2 semaphore(%run_scoped3A_208 : memref<!tpu.dma_semaphore, #tpu.memory_space<semaphore_mem>>) src(%dma_wait3A_232 : memref<128x128xf32, #tpu.memory_space<vmem>>) dst(%dma_wait3A_228 : memref<128x128xf32, #tpu.memory_space<hbm>>)
      tpu.yield
    }) : () -> ()
    %run_scoped3A_179 = arith.constant 0 : i32
    "tpu.region"() ({
      %run_scoped3A_208 = tpu.sem_alloc : memref<!tpu.dma_semaphore, #tpu.memory_space<semaphore_mem>>
      %dma_start3A_209 = arith.constant 0 : i32
      %dma_start3A_210 = arith.constant 0 : i32
      %dma_start3A_211 = tpu.memref_slice %arg11[%run_scoped3A_179, %dma_start3A_209, %dma_start3A_210] : memref<2x128x128xf32, #tpu.memory_space<vmem>> -> memref<1x128x128xf32, #tpu.memory_space<vmem>>
      %dma_start3A_212 = tpu.memref_squeeze %dma_start3A_211 : memref<1x128x128xf32, #tpu.memory_space<vmem>> -> memref<128x128xf32, #tpu.memory_space<vmem>>
      %dma_start3A_213 = arith.constant 0 : i32
      %dma_start3A_214 = tpu.memref_slice %arg7[%add3A_177, %dma_start3A_213] : memref<16384x128xf32, #tpu.memory_space<hbm>> -> memref<128x128xf32, #tpu.memory_space<hbm>>
      %dma_start3A_215 = arith.constant 0 : i32
      %dma_start3A_216 = tpu.memref_slice %arg7[%add3A_177, %dma_start3A_215] : memref<16384x128xf32, #tpu.memory_space<hbm>> -> memref<128x128xf32, #tpu.memory_space<hbm>>
      %dma_start3A_217 = arith.constant 0 : i32
      %dma_start3A_218 = arith.constant 0 : i32
      %dma_start3A_219 = tpu.memref_slice %arg11[%run_scoped3A_179, %dma_start3A_217, %dma_start3A_218] : memref<2x128x128xf32, #tpu.memory_space<vmem>> -> memref<1x128x128xf32, #tpu.memory_space<vmem>>
      %dma_start3A_220 = tpu.memref_squeeze %dma_start3A_219 : memref<1x128x128xf32, #tpu.memory_space<vmem>> -> memref<128x128xf32, #tpu.memory_space<vmem>>
      tpu.enqueue_dma source(%dma_start3A_220 : memref<128x128xf32, #tpu.memory_space<vmem>>) target(%dma_start3A_216 : memref<128x128xf32, #tpu.memory_space<hbm>>) target_semaphore(%run_scoped3A_208 : memref<!tpu.dma_semaphore, #tpu.memory_space<semaphore_mem>>)
      %dma_wait3A_221 = arith.constant 0 : i32
      %dma_wait3A_222 = arith.constant 0 : i32
      %dma_wait3A_223 = tpu.memref_slice %arg11[%run_scoped3A_179, %dma_wait3A_221, %dma_wait3A_222] : memref<2x128x128xf32, #tpu.memory_space<vmem>> -> memref<1x128x128xf32, #tpu.memory_space<vmem>>
      %dma_wait3A_224 = tpu.memref_squeeze %dma_wait3A_223 : memref<1x128x128xf32, #tpu.memory_space<vmem>> -> memref<128x128xf32, #tpu.memory_space<vmem>>
      %dma_wait3A_225 = arith.constant 0 : i32
      %dma_wait3A_226 = tpu.memref_slice %arg7[%add3A_177, %dma_wait3A_225] : memref<16384x128xf32, #tpu.memory_space<hbm>> -> memref<128x128xf32, #tpu.memory_space<hbm>>
      %dma_wait3A_227 = arith.constant 0 : i32
      %dma_wait3A_228 = tpu.memref_slice %arg7[%add3A_177, %dma_wait3A_227] : memref<16384x128xf32, #tpu.memory_space<hbm>> -> memref<128x128xf32, #tpu.memory_space<hbm>>
      %dma_wait3A_229 = arith.constant 0 : i32
      %dma_wait3A_230 = arith.constant 0 : i32
      %dma_wait3A_231 = tpu.memref_slice %arg11[%run_scoped3A_179, %dma_wait3A_229, %dma_wait3A_230] : memref<2x128x128xf32, #tpu.memory_space<vmem>> -> memref<1x128x128xf32, #tpu.memory_space<vmem>>
      %dma_wait3A_232 = tpu.memref_squeeze %dma_wait3A_231 : memref<1x128x128xf32, #tpu.memory_space<vmem>> -> memref<128x128xf32, #tpu.memory_space<vmem>>
      tpu.wait_dma2 semaphore(%run_scoped3A_208 : memref<!tpu.dma_semaphore, #tpu.memory_space<semaphore_mem>>) src(%dma_wait3A_232 : memref<128x128xf32, #tpu.memory_space<vmem>>) dst(%dma_wait3A_228 : memref<128x128xf32, #tpu.memory_space<hbm>>)
      tpu.yield
    }) : () -> ()
    %dma_wait3A_180 = arith.constant 3 : i32
    %dma_wait3A_181 = arith.constant 1 : i32
    %dma_wait3A_182 = arith.constant 0 : i32
    %dma_wait3A_183 = arith.constant 0 : i32
    %dma_wait3A_184 = tpu.memref_slice %arg10[%dma_wait3A_181, %dma_wait3A_182, %dma_wait3A_183] : memref<2x128x128xf32, #tpu.memory_space<vmem>> -> memref<1x128x128xf32, #tpu.memory_space<vmem>>
    %dma_wait3A_185 = tpu.memref_squeeze %dma_wait3A_184 : memref<1x128x128xf32, #tpu.memory_space<vmem>> -> memref<128x128xf32, #tpu.memory_space<vmem>>
    %dma_wait3A_186 = arith.constant 0 : i32
    %dma_wait3A_187 = tpu.memref_slice %arg8[%dma_wait3A_180, %dma_wait3A_186] : memref<4x128xi32, #tpu.memory_space<vmem>> -> memref<1x128xi32, #tpu.memory_space<vmem>>
    %dma_wait3A_188 = tpu.memref_squeeze %dma_wait3A_187 : memref<1x128xi32, #tpu.memory_space<vmem>> -> memref<128xi32, #tpu.memory_space<vmem>>
    %dma_wait3A_189 = arith.constant 0 : i32
    %dma_wait3A_190 = arith.constant 0 : i32
    %dma_wait3A_191 = tpu.memref_slice %arg4[%dma_wait3A_189, %dma_wait3A_190] : memref<250000x128xf32, #tpu.memory_space<hbm>> -> memref<250000x128xf32, #tpu.memory_space<hbm>>
    tpu.wait_indirect_dma semaphore(%arg12 : memref<!tpu.dma_semaphore, #tpu.memory_space<semaphore_mem>>) src(%dma_wait3A_191 : memref<250000x128xf32, #tpu.memory_space<hbm>>) dst(%dma_wait3A_185 : memref<128x128xf32, #tpu.memory_space<vmem>>)
    %dma_wait3A_192 = arith.constant 3 : i32
    %dma_wait3A_193 = arith.constant 1 : i32
    %dma_wait3A_194 = arith.constant 0 : i32
    %dma_wait3A_195 = arith.constant 0 : i32
    %dma_wait3A_196 = tpu.memref_slice %arg11[%dma_wait3A_193, %dma_wait3A_194, %dma_wait3A_195] : memref<2x128x128xf32, #tpu.memory_space<vmem>> -> memref<1x128x128xf32, #tpu.memory_space<vmem>>
    %dma_wait3A_197 = tpu.memref_squeeze %dma_wait3A_196 : memref<1x128x128xf32, #tpu.memory_space<vmem>> -> memref<128x128xf32, #tpu.memory_space<vmem>>
    %dma_wait3A_198 = arith.constant 0 : i32
    %dma_wait3A_199 = tpu.memref_slice %arg9[%dma_wait3A_192, %dma_wait3A_198] : memref<4x128xi32, #tpu.memory_space<vmem>> -> memref<1x128xi32, #tpu.memory_space<vmem>>
    %dma_wait3A_200 = tpu.memref_squeeze %dma_wait3A_199 : memref<1x128xi32, #tpu.memory_space<vmem>> -> memref<128xi32, #tpu.memory_space<vmem>>
    %dma_wait3A_201 = arith.constant 0 : i32
    %dma_wait3A_202 = arith.constant 0 : i32
    %dma_wait3A_203 = tpu.memref_slice %arg5[%dma_wait3A_201, %dma_wait3A_202] : memref<50000x128xf32, #tpu.memory_space<hbm>> -> memref<50000x128xf32, #tpu.memory_space<hbm>>
    tpu.wait_indirect_dma semaphore(%arg12 : memref<!tpu.dma_semaphore, #tpu.memory_space<semaphore_mem>>) src(%dma_wait3A_203 : memref<50000x128xf32, #tpu.memory_space<hbm>>) dst(%dma_wait3A_197 : memref<128x128xf32, #tpu.memory_space<vmem>>)
    %add3A_204 = arith.constant 384 : i32
    %add3A_205 = arith.addi %mul3A_2, %add3A_204 : i32
    %run_scoped3A_206 = arith.constant 1 : i32
    "tpu.region"() ({
      %run_scoped3A_208 = tpu.sem_alloc : memref<!tpu.dma_semaphore, #tpu.memory_space<semaphore_mem>>
      %dma_start3A_209 = arith.constant 0 : i32
      %dma_start3A_210 = arith.constant 0 : i32
      %dma_start3A_211 = tpu.memref_slice %arg10[%run_scoped3A_206, %dma_start3A_209, %dma_start3A_210] : memref<2x128x128xf32, #tpu.memory_space<vmem>> -> memref<1x128x128xf32, #tpu.memory_space<vmem>>
      %dma_start3A_212 = tpu.memref_squeeze %dma_start3A_211 : memref<1x128x128xf32, #tpu.memory_space<vmem>> -> memref<128x128xf32, #tpu.memory_space<vmem>>
      %dma_start3A_213 = arith.constant 0 : i32
      %dma_start3A_214 = tpu.memref_slice %arg6[%add3A_205, %dma_start3A_213] : memref<16384x128xf32, #tpu.memory_space<hbm>> -> memref<128x128xf32, #tpu.memory_space<hbm>>
      %dma_start3A_215 = arith.constant 0 : i32
      %dma_start3A_216 = tpu.memref_slice %arg6[%add3A_205, %dma_start3A_215] : memref<16384x128xf32, #tpu.memory_space<hbm>> -> memref<128x128xf32, #tpu.memory_space<hbm>>
      %dma_start3A_217 = arith.constant 0 : i32
      %dma_start3A_218 = arith.constant 0 : i32
      %dma_start3A_219 = tpu.memref_slice %arg10[%run_scoped3A_206, %dma_start3A_217, %dma_start3A_218] : memref<2x128x128xf32, #tpu.memory_space<vmem>> -> memref<1x128x128xf32, #tpu.memory_space<vmem>>
      %dma_start3A_220 = tpu.memref_squeeze %dma_start3A_219 : memref<1x128x128xf32, #tpu.memory_space<vmem>> -> memref<128x128xf32, #tpu.memory_space<vmem>>
      tpu.enqueue_dma source(%dma_start3A_220 : memref<128x128xf32, #tpu.memory_space<vmem>>) target(%dma_start3A_216 : memref<128x128xf32, #tpu.memory_space<hbm>>) target_semaphore(%run_scoped3A_208 : memref<!tpu.dma_semaphore, #tpu.memory_space<semaphore_mem>>)
      %dma_wait3A_221 = arith.constant 0 : i32
      %dma_wait3A_222 = arith.constant 0 : i32
      %dma_wait3A_223 = tpu.memref_slice %arg10[%run_scoped3A_206, %dma_wait3A_221, %dma_wait3A_222] : memref<2x128x128xf32, #tpu.memory_space<vmem>> -> memref<1x128x128xf32, #tpu.memory_space<vmem>>
      %dma_wait3A_224 = tpu.memref_squeeze %dma_wait3A_223 : memref<1x128x128xf32, #tpu.memory_space<vmem>> -> memref<128x128xf32, #tpu.memory_space<vmem>>
      %dma_wait3A_225 = arith.constant 0 : i32
      %dma_wait3A_226 = tpu.memref_slice %arg6[%add3A_205, %dma_wait3A_225] : memref<16384x128xf32, #tpu.memory_space<hbm>> -> memref<128x128xf32, #tpu.memory_space<hbm>>
      %dma_wait3A_227 = arith.constant 0 : i32
      %dma_wait3A_228 = tpu.memref_slice %arg6[%add3A_205, %dma_wait3A_227] : memref<16384x128xf32, #tpu.memory_space<hbm>> -> memref<128x128xf32, #tpu.memory_space<hbm>>
      %dma_wait3A_229 = arith.constant 0 : i32
      %dma_wait3A_230 = arith.constant 0 : i32
      %dma_wait3A_231 = tpu.memref_slice %arg10[%run_scoped3A_206, %dma_wait3A_229, %dma_wait3A_230] : memref<2x128x128xf32, #tpu.memory_space<vmem>> -> memref<1x128x128xf32, #tpu.memory_space<vmem>>
      %dma_wait3A_232 = tpu.memref_squeeze %dma_wait3A_231 : memref<1x128x128xf32, #tpu.memory_space<vmem>> -> memref<128x128xf32, #tpu.memory_space<vmem>>
      tpu.wait_dma2 semaphore(%run_scoped3A_208 : memref<!tpu.dma_semaphore, #tpu.memory_space<semaphore_mem>>) src(%dma_wait3A_232 : memref<128x128xf32, #tpu.memory_space<vmem>>) dst(%dma_wait3A_228 : memref<128x128xf32, #tpu.memory_space<hbm>>)
      tpu.yield
    }) : () -> ()
    %run_scoped3A_207 = arith.constant 1 : i32
    "tpu.region"() ({
      %run_scoped3A_208 = tpu.sem_alloc : memref<!tpu.dma_semaphore, #tpu.memory_space<semaphore_mem>>
      %dma_start3A_209 = arith.constant 0 : i32
      %dma_start3A_210 = arith.constant 0 : i32
      %dma_start3A_211 = tpu.memref_slice %arg11[%run_scoped3A_207, %dma_start3A_209, %dma_start3A_210] : memref<2x128x128xf32, #tpu.memory_space<vmem>> -> memref<1x128x128xf32, #tpu.memory_space<vmem>>
      %dma_start3A_212 = tpu.memref_squeeze %dma_start3A_211 : memref<1x128x128xf32, #tpu.memory_space<vmem>> -> memref<128x128xf32, #tpu.memory_space<vmem>>
      %dma_start3A_213 = arith.constant 0 : i32
      %dma_start3A_214 = tpu.memref_slice %arg7[%add3A_205, %dma_start3A_213] : memref<16384x128xf32, #tpu.memory_space<hbm>> -> memref<128x128xf32, #tpu.memory_space<hbm>>
      %dma_start3A_215 = arith.constant 0 : i32
      %dma_start3A_216 = tpu.memref_slice %arg7[%add3A_205, %dma_start3A_215] : memref<16384x128xf32, #tpu.memory_space<hbm>> -> memref<128x128xf32, #tpu.memory_space<hbm>>
      %dma_start3A_217 = arith.constant 0 : i32
      %dma_start3A_218 = arith.constant 0 : i32
      %dma_start3A_219 = tpu.memref_slice %arg11[%run_scoped3A_207, %dma_start3A_217, %dma_start3A_218] : memref<2x128x128xf32, #tpu.memory_space<vmem>> -> memref<1x128x128xf32, #tpu.memory_space<vmem>>
      %dma_start3A_220 = tpu.memref_squeeze %dma_start3A_219 : memref<1x128x128xf32, #tpu.memory_space<vmem>> -> memref<128x128xf32, #tpu.memory_space<vmem>>
      tpu.enqueue_dma source(%dma_start3A_220 : memref<128x128xf32, #tpu.memory_space<vmem>>) target(%dma_start3A_216 : memref<128x128xf32, #tpu.memory_space<hbm>>) target_semaphore(%run_scoped3A_208 : memref<!tpu.dma_semaphore, #tpu.memory_space<semaphore_mem>>)
      %dma_wait3A_221 = arith.constant 0 : i32
      %dma_wait3A_222 = arith.constant 0 : i32
      %dma_wait3A_223 = tpu.memref_slice %arg11[%run_scoped3A_207, %dma_wait3A_221, %dma_wait3A_222] : memref<2x128x128xf32, #tpu.memory_space<vmem>> -> memref<1x128x128xf32, #tpu.memory_space<vmem>>
      %dma_wait3A_224 = tpu.memref_squeeze %dma_wait3A_223 : memref<1x128x128xf32, #tpu.memory_space<vmem>> -> memref<128x128xf32, #tpu.memory_space<vmem>>
      %dma_wait3A_225 = arith.constant 0 : i32
      %dma_wait3A_226 = tpu.memref_slice %arg7[%add3A_205, %dma_wait3A_225] : memref<16384x128xf32, #tpu.memory_space<hbm>> -> memref<128x128xf32, #tpu.memory_space<hbm>>
      %dma_wait3A_227 = arith.constant 0 : i32
      %dma_wait3A_228 = tpu.memref_slice %arg7[%add3A_205, %dma_wait3A_227] : memref<16384x128xf32, #tpu.memory_space<hbm>> -> memref<128x128xf32, #tpu.memory_space<hbm>>
      %dma_wait3A_229 = arith.constant 0 : i32
      %dma_wait3A_230 = arith.constant 0 : i32
      %dma_wait3A_231 = tpu.memref_slice %arg11[%run_scoped3A_207, %dma_wait3A_229, %dma_wait3A_230] : memref<2x128x128xf32, #tpu.memory_space<vmem>> -> memref<1x128x128xf32, #tpu.memory_space<vmem>>
      %dma_wait3A_232 = tpu.memref_squeeze %dma_wait3A_231 : memref<1x128x128xf32, #tpu.memory_space<vmem>> -> memref<128x128xf32, #tpu.memory_space<vmem>>
      tpu.wait_dma2 semaphore(%run_scoped3A_208 : memref<!tpu.dma_semaphore, #tpu.memory_space<semaphore_mem>>) src(%dma_wait3A_232 : memref<128x128xf32, #tpu.memory_space<vmem>>) dst(%dma_wait3A_228 : memref<128x128xf32, #tpu.memory_space<hbm>>)
      tpu.yield
    }) : () -> ()
    return
  }
}

module attributes {stable_mosaic.version = 14 : i64} {
  func.func @_relayout_item_body(%arg0: i32, %arg1: memref<48x4096xf32, #tpu.memory_space<vmem>>, %arg2: memref<2048x128xf32, #tpu.memory_space<vmem>>) attributes {dimension_semantics = [#tpu.dimension_semantics<arbitrary>], iteration_bounds = array<i64: 25>, scalar_prefetch = 0 : i64, scratch_operands = 0 : i64, tpu.core_type = #tpu.core_type<tc>, window_params = [{transform_indices = @transform_0, window_bounds = array<i64: 48, 4096>}, {transform_indices = @transform_1, window_bounds = array<i64: 2048, 128>}]} {
    %get3A = arith.constant 0 : index
    %get3A_0 = arith.constant 0 : index
    %get3A_1 = vector.load %arg1[%get3A, %get3A_0] : memref<48x4096xf32, #tpu.memory_space<vmem>>, vector<48x4096xf32>
    %iota3A = tpu.iota {dimensions = array<i32: 0>} : vector<48x64xi32>
    %iota3A_2 = tpu.iota {dimensions = array<i32: 1>} : vector<48x64xi32>
    %eq3A = arith.cmpi eq, %iota3A, %iota3A_2 : vector<48x64xi32>
    %convert_element_type3A = arith.extui %eq3A : vector<48x64xi1> to vector<48x64xi32>
    %convert_element_type3A_3 = arith.sitofp %convert_element_type3A : vector<48x64xi32> to vector<48x64xf32>
    %transpose3A = tpu.transpose %get3A_1, [1, 0] : vector<48x4096xf32> -> vector<4096x48xf32>
    %dot_general3A = arith.constant dense<0.000000e+00> : vector<4096x64xf32>
    %dot_general3A_4 = tpu.matmul %transpose3A, %convert_element_type3A_3, %dot_general3A {dimension_numbers = #tpu.dot_dimension_numbers<[1], [0], [0], [1], [0, 0, 1, 1], [], []>, transpose_lhs_hint = false} : vector<4096x48xf32>, vector<48x64xf32>, vector<4096x64xf32> -> vector<4096x64xf32>
    %reshape3A = vector.shape_cast %dot_general3A_4 : vector<4096x64xf32> to vector<2048x2x64xf32>
    %slice3A = vector.extract_strided_slice %reshape3A {offsets = [0, 0, 0], sizes = [2048, 1, 64], strides = [1, 1, 1]} : vector<2048x2x64xf32> to vector<2048x1x64xf32>
    %squeeze3A = vector.shape_cast %slice3A : vector<2048x1x64xf32> to vector<2048x64xf32>
    %swap3A = arith.constant 0 : index
    %swap3A_5 = arith.constant 0 : index
    %swap3A_6 = vector.load %arg2[%swap3A, %swap3A_5] : memref<2048x128xf32, #tpu.memory_space<vmem>>, vector<2048x64xf32>
    tpu.vector_store %arg2[%swap3A, %swap3A_5], %squeeze3A {strides = array<i32>} : memref<2048x128xf32, #tpu.memory_space<vmem>>, vector<2048x64xf32>,
    %slice3A_7 = vector.extract_strided_slice %reshape3A {offsets = [0, 1, 0], sizes = [2048, 1, 64], strides = [1, 1, 1]} : vector<2048x2x64xf32> to vector<2048x1x64xf32>
    %squeeze3A_8 = vector.shape_cast %slice3A_7 : vector<2048x1x64xf32> to vector<2048x64xf32>
    %swap3A_9 = arith.constant 0 : index
    %swap3A_10 = arith.constant 64 : index
    %swap3A_11 = vector.load %arg2[%swap3A_9, %swap3A_10] : memref<2048x128xf32, #tpu.memory_space<vmem>>, vector<2048x64xf32>
    tpu.vector_store %arg2[%swap3A_9, %swap3A_10], %squeeze3A_8 {strides = array<i32>} : memref<2048x128xf32, #tpu.memory_space<vmem>>, vector<2048x64xf32>,
    return
  }
  func.func @transform_0(%arg0: i32) -> (i32, i32) {
    %c0_i32 = arith.constant 0 : i32
    %c0_i32_0 = arith.constant 0 : i32
    return %c0_i32, %arg0 : i32, i32
  }
  func.func @transform_1(%arg0: i32) -> (i32, i32) {
    %c0_i32 = arith.constant 0 : i32
    %c0_i32_0 = arith.constant 0 : i32
    return %arg0, %c0_i32 : i32, i32
  }
}

module attributes {stable_mosaic.version = 14 : i64} {
  func.func @_relayout_client_body(%arg0: i32, %arg1: memref<32x8192xf32, #tpu.memory_space<vmem>>, %arg2: memref<2048x128xf32, #tpu.memory_space<vmem>>) attributes {dimension_semantics = [#tpu.dimension_semantics<arbitrary>], iteration_bounds = array<i64: 123>, scalar_prefetch = 0 : i64, scratch_operands = 0 : i64, tpu.core_type = #tpu.core_type<tc>, window_params = [{transform_indices = @transform_0, window_bounds = array<i64: 32, 8192>}, {transform_indices = @transform_1, window_bounds = array<i64: 2048, 128>}]} {
    %get3A = arith.constant 0 : index
    %get3A_0 = arith.constant 0 : index
    %get3A_1 = vector.load %arg1[%get3A, %get3A_0] : memref<32x8192xf32, #tpu.memory_space<vmem>>, vector<32x8192xf32>
    %iota3A = tpu.iota {dimensions = array<i32: 0>} : vector<32x32xi32>
    %iota3A_2 = tpu.iota {dimensions = array<i32: 1>} : vector<32x32xi32>
    %eq3A = arith.cmpi eq, %iota3A, %iota3A_2 : vector<32x32xi32>
    %convert_element_type3A = arith.extui %eq3A : vector<32x32xi1> to vector<32x32xi32>
    %convert_element_type3A_3 = arith.sitofp %convert_element_type3A : vector<32x32xi32> to vector<32x32xf32>
    %transpose3A = tpu.transpose %get3A_1, [1, 0] : vector<32x8192xf32> -> vector<8192x32xf32>
    %dot_general3A = arith.constant dense<0.000000e+00> : vector<8192x32xf32>
    %dot_general3A_4 = tpu.matmul %transpose3A, %convert_element_type3A_3, %dot_general3A {dimension_numbers = #tpu.dot_dimension_numbers<[1], [0], [0], [1], [0, 0, 1, 1], [], []>, transpose_lhs_hint = false} : vector<8192x32xf32>, vector<32x32xf32>, vector<8192x32xf32> -> vector<8192x32xf32>
    %reshape3A = vector.shape_cast %dot_general3A_4 : vector<8192x32xf32> to vector<2048x4x32xf32>
    %slice3A = vector.extract_strided_slice %reshape3A {offsets = [0, 0, 0], sizes = [2048, 1, 32], strides = [1, 1, 1]} : vector<2048x4x32xf32> to vector<2048x1x32xf32>
    %squeeze3A = vector.shape_cast %slice3A : vector<2048x1x32xf32> to vector<2048x32xf32>
    %swap3A = arith.constant 0 : index
    %swap3A_5 = arith.constant 0 : index
    %swap3A_6 = vector.load %arg2[%swap3A, %swap3A_5] : memref<2048x128xf32, #tpu.memory_space<vmem>>, vector<2048x32xf32>
    tpu.vector_store %arg2[%swap3A, %swap3A_5], %squeeze3A {strides = array<i32>} : memref<2048x128xf32, #tpu.memory_space<vmem>>, vector<2048x32xf32>,
    %slice3A_7 = vector.extract_strided_slice %reshape3A {offsets = [0, 1, 0], sizes = [2048, 1, 32], strides = [1, 1, 1]} : vector<2048x4x32xf32> to vector<2048x1x32xf32>
    %squeeze3A_8 = vector.shape_cast %slice3A_7 : vector<2048x1x32xf32> to vector<2048x32xf32>
    %swap3A_9 = arith.constant 0 : index
    %swap3A_10 = arith.constant 32 : index
    %swap3A_11 = vector.load %arg2[%swap3A_9, %swap3A_10] : memref<2048x128xf32, #tpu.memory_space<vmem>>, vector<2048x32xf32>
    tpu.vector_store %arg2[%swap3A_9, %swap3A_10], %squeeze3A_8 {strides = array<i32>} : memref<2048x128xf32, #tpu.memory_space<vmem>>, vector<2048x32xf32>,
    %slice3A_12 = vector.extract_strided_slice %reshape3A {offsets = [0, 2, 0], sizes = [2048, 1, 32], strides = [1, 1, 1]} : vector<2048x4x32xf32> to vector<2048x1x32xf32>
    %squeeze3A_13 = vector.shape_cast %slice3A_12 : vector<2048x1x32xf32> to vector<2048x32xf32>
    %swap3A_14 = arith.constant 0 : index
    %swap3A_15 = arith.constant 64 : index
    %swap3A_16 = vector.load %arg2[%swap3A_14, %swap3A_15] : memref<2048x128xf32, #tpu.memory_space<vmem>>, vector<2048x32xf32>
    tpu.vector_store %arg2[%swap3A_14, %swap3A_15], %squeeze3A_13 {strides = array<i32>} : memref<2048x128xf32, #tpu.memory_space<vmem>>, vector<2048x32xf32>,
    %slice3A_17 = vector.extract_strided_slice %reshape3A {offsets = [0, 3, 0], sizes = [2048, 1, 32], strides = [1, 1, 1]} : vector<2048x4x32xf32> to vector<2048x1x32xf32>
    %squeeze3A_18 = vector.shape_cast %slice3A_17 : vector<2048x1x32xf32> to vector<2048x32xf32>
    %swap3A_19 = arith.constant 0 : index
    %swap3A_20 = arith.constant 96 : index
    %swap3A_21 = vector.load %arg2[%swap3A_19, %swap3A_20] : memref<2048x128xf32, #tpu.memory_space<vmem>>, vector<2048x32xf32>
    tpu.vector_store %arg2[%swap3A_19, %swap3A_20], %squeeze3A_18 {strides = array<i32>} : memref<2048x128xf32, #tpu.memory_space<vmem>>, vector<2048x32xf32>,
    return
  }
  func.func @transform_0(%arg0: i32) -> (i32, i32) {
    %c0_i32 = arith.constant 0 : i32
    %c0_i32_0 = arith.constant 0 : i32
    return %c0_i32, %arg0 : i32, i32
  }
  func.func @transform_1(%arg0: i32) -> (i32, i32) {
    %c0_i32 = arith.constant 0 : i32
    %c0_i32_0 = arith.constant 0 : i32
    return %arg0, %c0_i32 : i32, i32
  }
}

module attributes {stable_mosaic.version = 14 : i64} {
  func.func @_mlp_body(%arg0: i32, %arg1: memref<2048x16xf32, #tpu.memory_space<vmem>>, %arg2: memref<2048x128xf32, #tpu.memory_space<vmem>>, %arg3: memref<2048x128xf32, #tpu.memory_space<vmem>>, %arg4: memref<2048x64xf32, #tpu.memory_space<vmem>>, %arg5: memref<32x64xf32, #tpu.memory_space<vmem>>, %arg6: memref<24x8xf32, #tpu.memory_space<vmem>>, %arg7: memref<8x64xf32, #tpu.memory_space<vmem>>, %arg8: memref<7x4xf32, #tpu.memory_space<vmem>>, %arg9: memref<4x64xf32, #tpu.memory_space<vmem>>, %arg10: memref<16x64xf32, #tpu.memory_space<vmem>>, %arg11: memref<1x64xf32, #tpu.memory_space<vmem>>, %arg12: memref<64x32xf32, #tpu.memory_space<vmem>>, %arg13: memref<1x32xf32, #tpu.memory_space<vmem>>, %arg14: memref<48x64xf32, #tpu.memory_space<vmem>>, %arg15: memref<16x64xf32, #tpu.memory_space<vmem>>, %arg16: memref<1x64xf32, #tpu.memory_space<vmem>>, %arg17: memref<64x32xf32, #tpu.memory_space<vmem>>, %arg18: memref<1x32xf32, #tpu.memory_space<vmem>>, %arg19: memref<2048x32xf32, #tpu.memory_space<vmem>>, %arg20: memref<2048x32xf32, #tpu.memory_space<vmem>>) attributes {dimension_semantics = [#tpu.dimension_semantics<arbitrary>], iteration_bounds = array<i64: 8>, scalar_prefetch = 0 : i64, scratch_operands = 0 : i64, tpu.core_type = #tpu.core_type<tc>, window_params = [{transform_indices = @transform_0, window_bounds = array<i64: 2048, 16>}, {transform_indices = @transform_1, window_bounds = array<i64: 2048, 128>}, {transform_indices = @transform_2, window_bounds = array<i64: 2048, 128>}, {transform_indices = @transform_3, window_bounds = array<i64: 2048, 64>}, {pipeline_mode = #tpu.pipeline_mode<synchronous>, transform_indices = @transform_4, window_bounds = array<i64: 32, 64>}, {pipeline_mode = #tpu.pipeline_mode<synchronous>, transform_indices = @transform_5, window_bounds = array<i64: 24, 8>}, {pipeline_mode = #tpu.pipeline_mode<synchronous>, transform_indices = @transform_6, window_bounds = array<i64: 8, 64>}, {pipeline_mode = #tpu.pipeline_mode<synchronous>, transform_indices = @transform_7, window_bounds = array<i64: 7, 4>}, {pipeline_mode = #tpu.pipeline_mode<synchronous>, transform_indices = @transform_8, window_bounds = array<i64: 4, 64>}, {pipeline_mode = #tpu.pipeline_mode<synchronous>, transform_indices = @transform_9, window_bounds = array<i64: 16, 64>}, {pipeline_mode = #tpu.pipeline_mode<synchronous>, transform_indices = @transform_10, window_bounds = array<i64: 1, 64>}, {pipeline_mode = #tpu.pipeline_mode<synchronous>, transform_indices = @transform_11, window_bounds = array<i64: 64, 32>}, {pipeline_mode = #tpu.pipeline_mode<synchronous>, transform_indices = @transform_12, window_bounds = array<i64: 1, 32>}, {pipeline_mode = #tpu.pipeline_mode<synchronous>, transform_indices = @transform_13, window_bounds = array<i64: 48, 64>}, {pipeline_mode = #tpu.pipeline_mode<synchronous>, transform_indices = @transform_14, window_bounds = array<i64: 16, 64>}, {pipeline_mode = #tpu.pipeline_mode<synchronous>, transform_indices = @transform_15, window_bounds = array<i64: 1, 64>}, {pipeline_mode = #tpu.pipeline_mode<synchronous>, transform_indices = @transform_16, window_bounds = array<i64: 64, 32>}, {pipeline_mode = #tpu.pipeline_mode<synchronous>, transform_indices = @transform_17, window_bounds = array<i64: 1, 32>}, {transform_indices = @transform_18, window_bounds = array<i64: 2048, 32>}, {transform_indices = @transform_19, window_bounds = array<i64: 2048, 32>}]} {
    %get3A = arith.constant 0 : index
    %get3A_0 = arith.constant 0 : index
    %get3A_1 = vector.load %arg1[%get3A, %get3A_0] : memref<2048x16xf32, #tpu.memory_space<vmem>>, vector<2048x16xf32>
    %get3A_2 = arith.constant 0 : index
    %get3A_3 = arith.constant 0 : index
    %get3A_4 = vector.load %arg4[%get3A_2, %get3A_3] : memref<2048x64xf32, #tpu.memory_space<vmem>>, vector<2048x64xf32>
    %get3A_5 = arith.constant 0 : index
    %get3A_6 = arith.constant 0 : index
    %get3A_7 = vector.load %arg2[%get3A_5, %get3A_6] : memref<2048x128xf32, #tpu.memory_space<vmem>>, vector<2048x32xf32>
    %slice3A = vector.extract_strided_slice %get3A_4 {offsets = [0, 0], sizes = [2048, 1], strides = [1, 1]} : vector<2048x64xf32> to vector<2048x1xf32>
    %mul3A = vector.broadcast %slice3A : vector<2048x1xf32> to vector<2048x32xf32>
    %mul3A_8 = arith.mulf %get3A_7, %mul3A : vector<2048x32xf32>
    %get3A_9 = arith.constant 0 : index
    %get3A_10 = arith.constant 32 : index
    %get3A_11 = vector.load %arg2[%get3A_9, %get3A_10] : memref<2048x128xf32, #tpu.memory_space<vmem>>, vector<2048x32xf32>
    %slice3A_12 = vector.extract_strided_slice %get3A_4 {offsets = [0, 1], sizes = [2048, 1], strides = [1, 1]} : vector<2048x64xf32> to vector<2048x1xf32>
    %mul3A_13 = vector.broadcast %slice3A_12 : vector<2048x1xf32> to vector<2048x32xf32>
    %mul3A_14 = arith.mulf %get3A_11, %mul3A_13 : vector<2048x32xf32>
    %add3A = arith.addf %mul3A_8, %mul3A_14 : vector<2048x32xf32>
    %get3A_15 = arith.constant 0 : index
    %get3A_16 = arith.constant 64 : index
    %get3A_17 = vector.load %arg2[%get3A_15, %get3A_16] : memref<2048x128xf32, #tpu.memory_space<vmem>>, vector<2048x32xf32>
    %slice3A_18 = vector.extract_strided_slice %get3A_4 {offsets = [0, 2], sizes = [2048, 1], strides = [1, 1]} : vector<2048x64xf32> to vector<2048x1xf32>
    %mul3A_19 = vector.broadcast %slice3A_18 : vector<2048x1xf32> to vector<2048x32xf32>
    %mul3A_20 = arith.mulf %get3A_17, %mul3A_19 : vector<2048x32xf32>
    %add3A_21 = arith.addf %add3A, %mul3A_20 : vector<2048x32xf32>
    %get3A_22 = arith.constant 0 : index
    %get3A_23 = arith.constant 96 : index
    %get3A_24 = vector.load %arg2[%get3A_22, %get3A_23] : memref<2048x128xf32, #tpu.memory_space<vmem>>, vector<2048x32xf32>
    %slice3A_25 = vector.extract_strided_slice %get3A_4 {offsets = [0, 3], sizes = [2048, 1], strides = [1, 1]} : vector<2048x64xf32> to vector<2048x1xf32>
    %mul3A_26 = vector.broadcast %slice3A_25 : vector<2048x1xf32> to vector<2048x32xf32>
    %mul3A_27 = arith.mulf %get3A_24, %mul3A_26 : vector<2048x32xf32>
    %add3A_28 = arith.addf %add3A_21, %mul3A_27 : vector<2048x32xf32>
    %get3A_29 = arith.constant 0 : index
    %get3A_30 = arith.constant 0 : index
    %get3A_31 = vector.load %arg3[%get3A_29, %get3A_30] : memref<2048x128xf32, #tpu.memory_space<vmem>>, vector<2048x48xf32>
    %slice3A_32 = vector.extract_strided_slice %get3A_4 {offsets = [0, 8], sizes = [2048, 1], strides = [1, 1]} : vector<2048x64xf32> to vector<2048x1xf32>
    %mul3A_33 = vector.broadcast %slice3A_32 : vector<2048x1xf32> to vector<2048x48xf32>
    %mul3A_34 = arith.mulf %get3A_31, %mul3A_33 : vector<2048x48xf32>
    %get3A_35 = arith.constant 0 : index
    %get3A_36 = arith.constant 64 : index
    %get3A_37 = vector.load %arg3[%get3A_35, %get3A_36] : memref<2048x128xf32, #tpu.memory_space<vmem>>, vector<2048x48xf32>
    %slice3A_38 = vector.extract_strided_slice %get3A_4 {offsets = [0, 9], sizes = [2048, 1], strides = [1, 1]} : vector<2048x64xf32> to vector<2048x1xf32>
    %mul3A_39 = vector.broadcast %slice3A_38 : vector<2048x1xf32> to vector<2048x48xf32>
    %mul3A_40 = arith.mulf %get3A_37, %mul3A_39 : vector<2048x48xf32>
    %add3A_41 = arith.addf %mul3A_34, %mul3A_40 : vector<2048x48xf32>
    %slice3A_42 = vector.extract_strided_slice %get3A_4 {offsets = [0, 16], sizes = [2048, 24], strides = [1, 1]} : vector<2048x64xf32> to vector<2048x24xf32>
    %get3A_43 = arith.constant 0 : index
    %get3A_44 = arith.constant 0 : index
    %get3A_45 = vector.load %arg6[%get3A_43, %get3A_44] : memref<24x8xf32, #tpu.memory_space<vmem>>, vector<24x8xf32>
    %dot_general3A = arith.constant dense<0.000000e+00> : vector<2048x8xf32>
    %dot_general3A_46 = tpu.matmul %slice3A_42, %get3A_45, %dot_general3A {dimension_numbers = #tpu.dot_dimension_numbers<[1], [0], [0], [1], [0, 0, 1, 1], [], []>, transpose_lhs_hint = false} : vector<2048x24xf32>, vector<24x8xf32>, vector<2048x8xf32> -> vector<2048x8xf32>
    %slice3A_47 = vector.extract_strided_slice %get3A_4 {offsets = [0, 40], sizes = [2048, 7], strides = [1, 1]} : vector<2048x64xf32> to vector<2048x7xf32>
    %get3A_48 = arith.constant 0 : index
    %get3A_49 = arith.constant 0 : index
    %get3A_50 = vector.load %arg8[%get3A_48, %get3A_49] : memref<7x4xf32, #tpu.memory_space<vmem>>, vector<7x4xf32>
    %dot_general3A_51 = arith.constant dense<0.000000e+00> : vector<2048x4xf32>
    %dot_general3A_52 = tpu.matmul %slice3A_47, %get3A_50, %dot_general3A_51 {dimension_numbers = #tpu.dot_dimension_numbers<[1], [0], [0], [1], [0, 0, 1, 1], [], []>, transpose_lhs_hint = false} : vector<2048x7xf32>, vector<7x4xf32>, vector<2048x4xf32> -> vector<2048x4xf32>
    %get3A_53 = arith.constant 0 : index
    %get3A_54 = arith.constant 0 : index
    %get3A_55 = vector.load %arg5[%get3A_53, %get3A_54] : memref<32x64xf32, #tpu.memory_space<vmem>>, vector<32x64xf32>
    %dot_general3A_56 = arith.constant dense<0.000000e+00> : vector<2048x64xf32>
    %dot_general3A_57 = tpu.matmul %add3A_28, %get3A_55, %dot_general3A_56 {dimension_numbers = #tpu.dot_dimension_numbers<[1], [0], [0], [1], [0, 0, 1, 1], [], []>, transpose_lhs_hint = false} : vector<2048x32xf32>, vector<32x64xf32>, vector<2048x64xf32> -> vector<2048x64xf32>
    %get3A_58 = arith.constant 0 : index
    %get3A_59 = arith.constant 0 : index
    %get3A_60 = vector.load %arg7[%get3A_58, %get3A_59] : memref<8x64xf32, #tpu.memory_space<vmem>>, vector<8x64xf32>
    %dot_general3A_61 = arith.constant dense<0.000000e+00> : vector<2048x64xf32>
    %dot_general3A_62 = tpu.matmul %dot_general3A_46, %get3A_60, %dot_general3A_61 {dimension_numbers = #tpu.dot_dimension_numbers<[1], [0], [0], [1], [0, 0, 1, 1], [], []>, transpose_lhs_hint = false} : vector<2048x8xf32>, vector<8x64xf32>, vector<2048x64xf32> -> vector<2048x64xf32>
    %add3A_63 = arith.addf %dot_general3A_57, %dot_general3A_62 : vector<2048x64xf32>
    %get3A_64 = arith.constant 0 : index
    %get3A_65 = arith.constant 0 : index
    %get3A_66 = vector.load %arg9[%get3A_64, %get3A_65] : memref<4x64xf32, #tpu.memory_space<vmem>>, vector<4x64xf32>
    %dot_general3A_67 = arith.constant dense<0.000000e+00> : vector<2048x64xf32>
    %dot_general3A_68 = tpu.matmul %dot_general3A_52, %get3A_66, %dot_general3A_67 {dimension_numbers = #tpu.dot_dimension_numbers<[1], [0], [0], [1], [0, 0, 1, 1], [], []>, transpose_lhs_hint = false} : vector<2048x4xf32>, vector<4x64xf32>, vector<2048x64xf32> -> vector<2048x64xf32>
    %add3A_69 = arith.addf %add3A_63, %dot_general3A_68 : vector<2048x64xf32>
    %get3A_70 = arith.constant 0 : index
    %get3A_71 = arith.constant 0 : index
    %get3A_72 = vector.load %arg10[%get3A_70, %get3A_71] : memref<16x64xf32, #tpu.memory_space<vmem>>, vector<16x64xf32>
    %dot_general3A_73 = arith.constant dense<0.000000e+00> : vector<2048x64xf32>
    %dot_general3A_74 = tpu.matmul %get3A_1, %get3A_72, %dot_general3A_73 {dimension_numbers = #tpu.dot_dimension_numbers<[1], [0], [0], [1], [0, 0, 1, 1], [], []>, transpose_lhs_hint = false} : vector<2048x16xf32>, vector<16x64xf32>, vector<2048x64xf32> -> vector<2048x64xf32>
    %add3A_75 = arith.addf %add3A_69, %dot_general3A_74 : vector<2048x64xf32>
    %get3A_76 = arith.constant 0 : index
    %get3A_77 = arith.constant 0 : index
    %get3A_78 = vector.load %arg11[%get3A_76, %get3A_77] : memref<1x64xf32, #tpu.memory_space<vmem>>, vector<1x64xf32>
    %add3A_79 = vector.broadcast %get3A_78 : vector<1x64xf32> to vector<2048x64xf32>
    %add3A_80 = arith.addf %add3A_75, %add3A_79 : vector<2048x64xf32>
    %max3A = arith.constant 0.000000e+00 : f32
    %max3A_81 = vector.broadcast %max3A : f32 to vector<2048x64xf32>
    %max3A_82 = arith.maximumf %add3A_80, %max3A_81 : vector<2048x64xf32>
    %get3A_83 = arith.constant 0 : index
    %get3A_84 = arith.constant 0 : index
    %get3A_85 = vector.load %arg12[%get3A_83, %get3A_84] : memref<64x32xf32, #tpu.memory_space<vmem>>, vector<64x32xf32>
    %dot_general3A_86 = arith.constant dense<0.000000e+00> : vector<2048x32xf32>
    %dot_general3A_87 = tpu.matmul %max3A_82, %get3A_85, %dot_general3A_86 {dimension_numbers = #tpu.dot_dimension_numbers<[1], [0], [0], [1], [0, 0, 1, 1], [], []>, transpose_lhs_hint = false} : vector<2048x64xf32>, vector<64x32xf32>, vector<2048x32xf32> -> vector<2048x32xf32>
    %get3A_88 = arith.constant 0 : index
    %get3A_89 = arith.constant 0 : index
    %get3A_90 = vector.load %arg13[%get3A_88, %get3A_89] : memref<1x32xf32, #tpu.memory_space<vmem>>, vector<1x32xf32>
    %add3A_91 = vector.broadcast %get3A_90 : vector<1x32xf32> to vector<2048x32xf32>
    %add3A_92 = arith.addf %dot_general3A_87, %add3A_91 : vector<2048x32xf32>
    %max3A_93 = arith.constant 0.000000e+00 : f32
    %max3A_94 = vector.broadcast %max3A_93 : f32 to vector<2048x32xf32>
    %max3A_95 = arith.maximumf %add3A_92, %max3A_94 : vector<2048x32xf32>
    %swap3A = arith.constant 0 : index
    %swap3A_96 = arith.constant 0 : index
    %swap3A_97 = vector.load %arg19[%swap3A, %swap3A_96] : memref<2048x32xf32, #tpu.memory_space<vmem>>, vector<2048x32xf32>
    tpu.vector_store %arg19[%swap3A, %swap3A_96], %max3A_95 {strides = array<i32>} : memref<2048x32xf32, #tpu.memory_space<vmem>>, vector<2048x32xf32>,
    %get3A_98 = arith.constant 0 : index
    %get3A_99 = arith.constant 0 : index
    %get3A_100 = vector.load %arg14[%get3A_98, %get3A_99] : memref<48x64xf32, #tpu.memory_space<vmem>>, vector<48x64xf32>
    %dot_general3A_101 = arith.constant dense<0.000000e+00> : vector<2048x64xf32>
    %dot_general3A_102 = tpu.matmul %add3A_41, %get3A_100, %dot_general3A_101 {dimension_numbers = #tpu.dot_dimension_numbers<[1], [0], [0], [1], [0, 0, 1, 1], [], []>, transpose_lhs_hint = false} : vector<2048x48xf32>, vector<48x64xf32>, vector<2048x64xf32> -> vector<2048x64xf32>
    %get3A_103 = arith.constant 0 : index
    %get3A_104 = arith.constant 0 : index
    %get3A_105 = vector.load %arg15[%get3A_103, %get3A_104] : memref<16x64xf32, #tpu.memory_space<vmem>>, vector<16x64xf32>
    %dot_general3A_106 = arith.constant dense<0.000000e+00> : vector<2048x64xf32>
    %dot_general3A_107 = tpu.matmul %get3A_1, %get3A_105, %dot_general3A_106 {dimension_numbers = #tpu.dot_dimension_numbers<[1], [0], [0], [1], [0, 0, 1, 1], [], []>, transpose_lhs_hint = false} : vector<2048x16xf32>, vector<16x64xf32>, vector<2048x64xf32> -> vector<2048x64xf32>
    %add3A_108 = arith.addf %dot_general3A_102, %dot_general3A_107 : vector<2048x64xf32>
    %get3A_109 = arith.constant 0 : index
    %get3A_110 = arith.constant 0 : index
    %get3A_111 = vector.load %arg16[%get3A_109, %get3A_110] : memref<1x64xf32, #tpu.memory_space<vmem>>, vector<1x64xf32>
    %add3A_112 = vector.broadcast %get3A_111 : vector<1x64xf32> to vector<2048x64xf32>
    %add3A_113 = arith.addf %add3A_108, %add3A_112 : vector<2048x64xf32>
    %max3A_114 = arith.constant 0.000000e+00 : f32
    %max3A_115 = vector.broadcast %max3A_114 : f32 to vector<2048x64xf32>
    %max3A_116 = arith.maximumf %add3A_113, %max3A_115 : vector<2048x64xf32>
    %get3A_117 = arith.constant 0 : index
    %get3A_118 = arith.constant 0 : index
    %get3A_119 = vector.load %arg17[%get3A_117, %get3A_118] : memref<64x32xf32, #tpu.memory_space<vmem>>, vector<64x32xf32>
    %dot_general3A_120 = arith.constant dense<0.000000e+00> : vector<2048x32xf32>
    %dot_general3A_121 = tpu.matmul %max3A_116, %get3A_119, %dot_general3A_120 {dimension_numbers = #tpu.dot_dimension_numbers<[1], [0], [0], [1], [0, 0, 1, 1], [], []>, transpose_lhs_hint = false} : vector<2048x64xf32>, vector<64x32xf32>, vector<2048x32xf32> -> vector<2048x32xf32>
    %get3A_122 = arith.constant 0 : index
    %get3A_123 = arith.constant 0 : index
    %get3A_124 = vector.load %arg18[%get3A_122, %get3A_123] : memref<1x32xf32, #tpu.memory_space<vmem>>, vector<1x32xf32>
    %add3A_125 = vector.broadcast %get3A_124 : vector<1x32xf32> to vector<2048x32xf32>
    %add3A_126 = arith.addf %dot_general3A_121, %add3A_125 : vector<2048x32xf32>
    %max3A_127 = arith.constant 0.000000e+00 : f32
    %max3A_128 = vector.broadcast %max3A_127 : f32 to vector<2048x32xf32>
    %max3A_129 = arith.maximumf %add3A_126, %max3A_128 : vector<2048x32xf32>
    %swap3A_130 = arith.constant 0 : index
    %swap3A_131 = arith.constant 0 : index
    %swap3A_132 = vector.load %arg20[%swap3A_130, %swap3A_131] : memref<2048x32xf32, #tpu.memory_space<vmem>>, vector<2048x32xf32>
    tpu.vector_store %arg20[%swap3A_130, %swap3A_131], %max3A_129 {strides = array<i32>} : memref<2048x32xf32, #tpu.memory_space<vmem>>, vector<2048x32xf32>,
    return
  }
  func.func @transform_0(%arg0: i32) -> (i32, i32) {
    %c0_i32 = arith.constant 0 : i32
    %c0_i32_0 = arith.constant 0 : i32
    return %arg0, %c0_i32 : i32, i32
  }
  func.func @transform_1(%arg0: i32) -> (i32, i32) {
    %c0_i32 = arith.constant 0 : i32
    %c0_i32_0 = arith.constant 0 : i32
    return %arg0, %c0_i32 : i32, i32
  }
  func.func @transform_2(%arg0: i32) -> (i32, i32) {
    %c0_i32 = arith.constant 0 : i32
    %c0_i32_0 = arith.constant 0 : i32
    return %arg0, %c0_i32 : i32, i32
  }
  func.func @transform_3(%arg0: i32) -> (i32, i32) {
    %c0_i32 = arith.constant 0 : i32
    %c0_i32_0 = arith.constant 0 : i32
    return %arg0, %c0_i32 : i32, i32
  }
  func.func @transform_4(%arg0: i32) -> (i32, i32) {
    %c0_i32 = arith.constant 0 : i32
    %c0_i32_0 = arith.constant 0 : i32
    %c0_i32_1 = arith.constant 0 : i32
    return %c0_i32, %c0_i32_0 : i32, i32
  }
  func.func @transform_5(%arg0: i32) -> (i32, i32) {
    %c0_i32 = arith.constant 0 : i32
    %c0_i32_0 = arith.constant 0 : i32
    %c0_i32_1 = arith.constant 0 : i32
    return %c0_i32, %c0_i32_0 : i32, i32
  }
  func.func @transform_6(%arg0: i32) -> (i32, i32) {
    %c0_i32 = arith.constant 0 : i32
    %c0_i32_0 = arith.constant 0 : i32
    %c0_i32_1 = arith.constant 0 : i32
    return %c0_i32, %c0_i32_0 : i32, i32
  }
  func.func @transform_7(%arg0: i32) -> (i32, i32) {
    %c0_i32 = arith.constant 0 : i32
    %c0_i32_0 = arith.constant 0 : i32
    %c0_i32_1 = arith.constant 0 : i32
    return %c0_i32, %c0_i32_0 : i32, i32
  }
  func.func @transform_8(%arg0: i32) -> (i32, i32) {
    %c0_i32 = arith.constant 0 : i32
    %c0_i32_0 = arith.constant 0 : i32
    %c0_i32_1 = arith.constant 0 : i32
    return %c0_i32, %c0_i32_0 : i32, i32
  }
  func.func @transform_9(%arg0: i32) -> (i32, i32) {
    %c0_i32 = arith.constant 0 : i32
    %c0_i32_0 = arith.constant 0 : i32
    %c0_i32_1 = arith.constant 0 : i32
    return %c0_i32, %c0_i32_0 : i32, i32
  }
  func.func @transform_10(%arg0: i32) -> (i32, i32) {
    %c0_i32 = arith.constant 0 : i32
    %c0_i32_0 = arith.constant 0 : i32
    %c0_i32_1 = arith.constant 0 : i32
    return %c0_i32, %c0_i32_0 : i32, i32
  }
  func.func @transform_11(%arg0: i32) -> (i32, i32) {
    %c0_i32 = arith.constant 0 : i32
    %c0_i32_0 = arith.constant 0 : i32
    %c0_i32_1 = arith.constant 0 : i32
    return %c0_i32, %c0_i32_0 : i32, i32
  }
  func.func @transform_12(%arg0: i32) -> (i32, i32) {
    %c0_i32 = arith.constant 0 : i32
    %c0_i32_0 = arith.constant 0 : i32
    %c0_i32_1 = arith.constant 0 : i32
    return %c0_i32, %c0_i32_0 : i32, i32
  }
  func.func @transform_13(%arg0: i32) -> (i32, i32) {
    %c0_i32 = arith.constant 0 : i32
    %c0_i32_0 = arith.constant 0 : i32
    %c0_i32_1 = arith.constant 0 : i32
    return %c0_i32, %c0_i32_0 : i32, i32
  }
  func.func @transform_14(%arg0: i32) -> (i32, i32) {
    %c0_i32 = arith.constant 0 : i32
    %c0_i32_0 = arith.constant 0 : i32
    %c0_i32_1 = arith.constant 0 : i32
    return %c0_i32, %c0_i32_0 : i32, i32
  }
  func.func @transform_15(%arg0: i32) -> (i32, i32) {
    %c0_i32 = arith.constant 0 : i32
    %c0_i32_0 = arith.constant 0 : i32
    %c0_i32_1 = arith.constant 0 : i32
    return %c0_i32, %c0_i32_0 : i32, i32
  }
  func.func @transform_16(%arg0: i32) -> (i32, i32) {
    %c0_i32 = arith.constant 0 : i32
    %c0_i32_0 = arith.constant 0 : i32
    %c0_i32_1 = arith.constant 0 : i32
    return %c0_i32, %c0_i32_0 : i32, i32
  }
  func.func @transform_17(%arg0: i32) -> (i32, i32) {
    %c0_i32 = arith.constant 0 : i32
    %c0_i32_0 = arith.constant 0 : i32
    %c0_i32_1 = arith.constant 0 : i32
    return %c0_i32, %c0_i32_0 : i32, i32
  }
  func.func @transform_18(%arg0: i32) -> (i32, i32) {
    %c0_i32 = arith.constant 0 : i32
    %c0_i32_0 = arith.constant 0 : i32
    return %arg0, %c0_i32 : i32, i32
  }
  func.func @transform_19(%arg0: i32) -> (i32, i32) {
    %c0_i32 = arith.constant 0 : i32
    %c0_i32_0 = arith.constant 0 : i32
    return %arg0, %c0_i32 : i32, i32
  }
}

</mosaic_0001>

<sc_bundles>
// kernel: kernel.6.cloned.1.call-start
scs
__scs_entry_jumppad:
0x0: {  	(pc) =	sbr.rel $0x88, $3  }
0x1: {  	(tag) =	ssettag $0x0;
	lr =	simm.s32 $0x1  }
0x2: {  	[smem:$0x3F90] =	sst lr;
	_ =	strace $0xD0000000  }
0x3: {  	_ = 	snop  }
0x4: {  	_ = 	snop  }
0x5: {  	_ = 	snop  }
0x6: {  	_ = 	snop  }
0x7: {  	_ = 	snop  }
__scs_overlays_trampoline_lowered:
0x8: {  	[smem:$0x3F9F] =	sst s0  }
0x9: {  	[smem:$0x3FA0] =	sst s1  }
0xa: {  	[smem:$0x3FA1] =	sst s2  }
0xb: {  	[smem:$0x3FA2] =	sst s3  }
0xc: {  	[smem:$0x3FA3] =	sst s4  }
0xd: {  	[smem:$0x3FA4] =	sst s5  }
0xe: {  	[smem:$0x3FA5] =	sst s6  }
0xf: {  	[smem:$0x3FA6] =	sst s7  }
0x10: {  	[smem:$0x3FA7] =	sst s8  }
0x11: {  	[smem:$0x3FA8] =	sst s9;
	s0 =	simm.s32 @!p0 $0x0  }
0x12: {  	s1 =	sld [smem:$0x3F8E];
	s0 =	simm.s32 @p0 $0x1  }
0x13: {  	[smem:$0x3FA9] =	sst s0;
	s0 =	simm.s32 @!p1 $0x0  }
0x14: {  	s2 =	sld [smem:$0x3F8D];
	s0 =	simm.s32 @p1 $0x1  }
0x15: {  	[smem:$0x3FAA] =	sst s0;
	s0 =	simm.s32 @!p2 $0x0  }
0x16: {  	s3 =	sld [smem:$0x3FDB];
	s0 =	simm.s32 @p2 $0x1  }
0x17: {  	s4 =	simm.s32 $0x1BF5;
	[smem:$0x3FAC] =	sst s0  }
0x18: {  	s0 =	sld [smem:$0x3F8F];
	_ =	swait.ge [sflag:s4], $0x0  }
0x19: {  	s7 =	sld [smem:$0x3F90]  }
0x1a: {  	s8 =	sadd.s32 $0xFFFFE003, lr  }
0x1b: {  	s9 =	sadd.s32 $0xFFFFFEF7, lr;
	s5 =	simm.s32 $0xFFFFFFFF;
	p2 =	slt.u32 s8, $0xFFFFF086  }
0x1c: {  	p1 =	slt.u32 s9, $0xF7A;
	s5 =	simm.s32 @!p2 $0x0  }
0x1d: {  	s5 =	simm.s32 @p1 $0x1;
	p0 =	seq.s32 s7, s2  }
0x1e: {  	s7 =	smul.u32 @!p0 $0xF7A, s2;
	p2 =	seq.s32 @!p0 s5, $0x0  }
0x1f: {  	s9 =	smul.u32 $0xF7A, s1;
	s8 =	simm.s32 @!p0 $0x1BF5;
	p2 =	por !p2, p0  }
0x20: {  	[sflag:s8] =	ssyncset.s32 @!p0 $0xFFFFF086;
	s6 =	sadd.s32 @!p0 s3, s7;
	s7 =	simm.s32 @!p0 $0x108  }
0x21: {  	s3 =	sadd.s32 s3, s9;
	s6 =	sadd.s32 @!p0 $0x88, s6;
	s7 =	simm.s32 @p2 $0x1082  }
0x22: {  	[simem:s7], [sflag:s8] =	dma.local @!p0 [hbm:s6], $0xF7A  }
0x23: {  	s9 =	sor.u32 $0xD0000000, s2;
	s6 =	simm.s32 $0x108;
	_ =	swait.ge @!p0 [sflag:s8], $0x0  }
0x24: {  	s3 =	sadd.s32 $0x88, s3;
	s6 =	simm.s32 @!p1 $0x1082;
	[sflag:s4] =	ssyncset.s32 $0xFFFFF086  }
0x25: {  	[simem:s6], [sflag:s4] =	dma.local [hbm:s3], $0xF7A  }
0x26: {  	[smem:$0x3F90] =	sst s1;
	(tag) =	ssettag s2;
	_ =	strace s9  }
0x27: {  	s1 =	sld [smem:$0x3FA0]  }
0x28: {  	s2 =	sld [smem:$0x3FA1]  }
0x29: {  	s4 =	sld [smem:$0x3FA3]  }
0x2a: {  	p0 =	seq.s32 s5, $0x0;
	s5 =	sld [smem:$0x3FA4]  }
0x2b: {  	s6 =	sld [smem:$0x3FA5]  }
0x2c: {  	s7 =	sld [smem:$0x3FA6]  }
0x2d: {  	s3 =	simm.s32 $0x108;
	s8 =	sld [smem:$0x3FA7]  }
0x2e: {  	s3 =	simm.s32 @!p0 $0x1082;
	s9 =	sld [smem:$0x3FA8]  }
0x2f: {  	lr =	sadd.s32 s0, s3;
	s0 =	sld [smem:$0x3F9F]  }
0x30: {  	s3 =	sld [smem:$0x3FA2]  }
0x31: {  	[smem:$0x3FAB] =	sst s10  }
0x32: {  	s10 =	sld [smem:$0x3FA9];
	_ =	sdelay $0x3  }
0x33: {  	p0 =	seq.s32 s10, $0x1;
	s10 =	sld [smem:$0x3FAB];
	_ =	sdelay $0x3  }
0x34: {  	[smem:$0x3FAB] =	sst s10  }
0x35: {  	s10 =	sld [smem:$0x3FAA];
	_ =	sdelay $0x3  }
0x36: {  	p1 =	seq.s32 s10, $0x1;
	s10 =	sld [smem:$0x3FAB];
	_ =	sdelay $0x3  }
0x37: {  	[smem:$0x3FAB] =	sst s10  }
0x38: {  	s10 =	sld [smem:$0x3FAC]  }
0x39: {  	_ = 	snop;
	(pc) =	sbr.ind lr, $3  }
0x3a: {  	_ = 	snop  }
0x3b: {  	_ = 	snop  }
0x3c: {  	p2 =	seq.s32 s10, $0x1;
	s10 =	sld [smem:$0x3FAB]  }
0x3d: {  	_ =	shalt  }
0x3e: {  	_ =	shalt  }
0x3f: {  	_ =	shalt  }
0x40: {  	_ =	shalt  }
0x41: {  	_ =	shalt  }
0x42: {  	_ =	shalt  }
0x43: {  	_ =	shalt  }
0x44: {  	_ =	shalt  }
0x45: {  	_ =	shalt  }
0x46: {  	_ =	shalt  }
0x47: {  	_ =	shalt  }
0x48: {  	_ =	shalt  }
0x49: {  	_ =	shalt  }
0x4a: {  	_ =	shalt  }
0x4b: {  	_ =	shalt  }
0x4c: {  	_ =	shalt  }
0x4d: {  	_ =	shalt  }
0x4e: {  	_ =	shalt  }
0x4f: {  	_ =	shalt  }
0x50: {  	_ =	shalt  }
0x51: {  	_ =	shalt  }
0x52: {  	_ =	shalt  }
0x53: {  	_ =	shalt  }
0x54: {  	_ =	shalt  }
0x55: {  	_ =	shalt  }
0x56: {  	_ =	shalt  }
0x57: {  	_ =	shalt  }
0x58: {  	_ =	shalt  }
0x59: {  	_ =	shalt  }
0x5a: {  	_ =	shalt  }
0x5b: {  	_ =	shalt  }
0x5c: {  	_ =	shalt  }
0x5d: {  	_ =	shalt  }
0x5e: {  	_ =	shalt  }
0x5f: {  	_ =	shalt  }
0x60: {  	_ =	shalt  }
0x61: {  	_ =	shalt  }
0x62: {  	_ =	shalt  }
0x63: {  	_ =	shalt  }
0x64: {  	_ =	shalt  }
0x65: {  	_ =	shalt  }
0x66: {  	_ =	shalt  }
0x67: {  	_ =	shalt  }
0x68: {  	_ =	shalt  }
0x69: {  	_ =	shalt  }
0x6a: {  	_ =	shalt  }
0x6b: {  	_ =	shalt  }
0x6c: {  	_ =	shalt  }
0x6d: {  	_ =	shalt  }
0x6e: {  	_ =	shalt  }
0x6f: {  	_ =	shalt  }
0x70: {  	_ =	shalt  }
0x71: {  	_ =	shalt  }
0x72: {  	_ =	shalt  }
0x73: {  	_ =	shalt  }
0x74: {  	_ =	shalt  }
0x75: {  	_ =	shalt  }
0x76: {  	_ =	shalt  }
0x77: {  	_ =	shalt  }
0x78: {  	_ =	shalt  }
0x79: {  	_ =	shalt  }
0x7a: {  	_ =	shalt  }
0x7b: {  	_ =	shalt  }
0x7c: {  	_ =	shalt  }
0x7d: {  	_ =	shalt  }
0x7e: {  	_ =	shalt  }
0x7f: {  	_ =	shalt  }
0x80: {  	_ =	shalt  }
0x81: {  	_ =	shalt  }
0x82: {  	_ =	shalt  }
0x83: {  	_ =	shalt  }
0x84: {  	_ =	shalt  }
0x85: {  	_ =	shalt  }
0x86: {  	_ =	shalt  }
0x87: {  	_ =	shalt  }
.Lfunc_end0:
.L_simem_size_0:
called_computation_lowered:
.L_overlay_start_0:
0x88: {  	s2 =	sld [smem:$0x3FD9]  }
0x89: {  	s3 =	sld [smem:$0x3FFE];
	_ =	sdelay $0x1  }
0x8a: {  	s1 =	srdreg.scid  }
0x8b: {  	s0 =	sand.u32 $0x1, s1  }
0x8c: {  	s14 =	sshll.u32 s0, $0xA;
	s2 =	sadd.s32 s3, s2  }
0x8d: {  	s2 =	sadd.s32 s2, s14  }
0x8e: {  	[smem:$0x3FB7] =	sst s2  }
0x8f: {  	_ = 	snop  }
0x90: {  	s2 =	sld [smem:$0x3FD0];
	_ =	sdelay $0x2  }
0x91: {  	s15 =	simm.s32 $0xA;
	s4 =	simm.s32 $0x10  }
0x92: {  	[smem:s4], [sflag:s15] =	dma.local [hbm:s2], $0x1  }
0x93: {  	_ =	swait.eq [sflag:s15], $0x1  }
0x94: {  	[sflag:s15] =	ssyncset.done $0x0  }
0x95: {  	s16 =	sld [smem:$0x10];
	[sflag:s15] =	ssyncadd.s32 $0xFFFFFFFF  }
0x96: {  	s17 =	sld [smem:$0x11];
	(tm) =	ssettm $0x1  }
0x97: {  	s18 =	sld [smem:$0x3FFB];
	_ =	sdelay $0x3  }
0x98: {  	_ =	strace s18  }
0x99: {  	s4 =	sld [smem:$0x3FFC];
	_ =	sdelay $0x3  }
0x9a: {  	_ =	strace s4  }
0x9b: {  	s4 =	sld [smem:$0x3FFD];
	_ =	sdelay $0x3  }
0x9c: {  	_ =	strace s4  }
0x9d: {  	_ =	strace $0x8FFFFFFF  }
0x9e: {  	s19 =	sld [smem:$0x3FDB];
	_ =	sdelay $0x1  }
0x9f: {  	s5 =	simm.s32 $_scs_section_size  }
0xa0: {  	s6 =	simm.s32 $_size__tile_overlayer_lowered;
	s7 =	simm.s32 $_tile_overlayer_lowered  }
0xa1: {  	s22 =	simm.s32 $0x1BFF;
	s21 =	sshll.u32 s7, $0x1;
	s4 =	sadd.s32 s5, s19  }
0xa2: {  	s8 =	simm.s32 $0x0;
	s20 =	sshll.u32 s6, $0x1;
	s6 =	sadd.s32 s21, s4  }
0xa3: {  	[timem:s8], [sflag:s22] =	dma.local [hbm:s6], s20  }
0xa4: {  	_ =	swait.ge [sflag:s22], s20  }
0xa5: {  	s5 =	ssub.s32 $0x0, s20;
	[sflag:s22] =	ssyncset.done $0x0  }
0xa6: {  	[sflag:s22] =	ssyncadd.s32 s5;
	_ =	sdelay $0x1  }
0xa7: {  	s23 =	simm.s32 $0x1B8B  }
0xa8: {  	_ =	swait.ge [sflag:s23], $0x1  }
0xa9: {  	[sflag:s23] =	ssyncset.done $0x0  }
0xaa: {  	s25 =	simm.s32 $0x1B8E;
	s24 =	sld [smem:$0x3FFE];
	[sflag:s23] =	ssyncadd.s32 $0xFFFFFFFF  }
0xab: {  	s26 =	simm.s32 $execute0_lowered;
	[smem:$0x3FD2] =	sst s25  }
0xac: {  	s6 =	sshll.u32 s26, $0x1;
	_ =	strace $0x80000046;
	[dreg:$0x1] =	wrdreg $0xFFFFFFFF  }
0xad: {  	s28 =	simm.s32 $_size_execute0_lowered;
	s4 =	sadd.s32 s4, s6;
	[dreg:$0x0] =	wrdreg $0x0  }
0xae: {  	s6 =	sshll.u32 s28, $0x1;
	[dreg:$0x2] =	wrdreg s4  }
0xaf: {  	[dreg:$0x3] =	wrdreg s6  }
0xb0: {  	[dreg:$0x4] =	wrdreg $0xC0  }
0xb1: {  	_ =	task [dreg:s8], $0x5FFFF  }
0xb2: {  	[dreg:$0x1] =	wrdreg $0xFFFFFFFF  }
0xb3: {  	[dreg:$0x0] =	wrdreg $0x60  }
0xb4: {  	[dreg:$0x2] =	wrdreg s17  }
0xb5: {  	[dreg:$0x3] =	wrdreg s16  }
0xb6: {  	[dreg:$0x4] =	wrdreg s24  }
0xb7: {  	[dreg:$0x5] =	wrdreg $0x9  }
0xb8: {  	_ =	task.clear_ibuf [dreg:s8], $0x6FFFF;
	_ =	strace $0x90000046  }
0xb9: {  	s29 =	simm.s32 $0x9;
	_ =	strace $0x80000048  }
0xba: {  	_ =	swait.ge [sflag:s29], $0x1  }
0xbb: {  	[sflag:s29] =	ssyncadd.s32 $0xFFFFFFFF  }
0xbc: {  	_ =	strace $0x90000048  }
0xbd: {  	_ =	sfence  }
0xbe: {  	s30 =	sld [smem:$0x0];
	_ =	sdelay $0x2  }
0xbf: {  	s31 =	sshll.u32 s1, $0xD;
	s1 =	sshrl.u32 s1, $0x2  }
0xc0: {  	s3 =	sand.u32 $0x4000, s31;
	s1 =	sadd.s32 s1, s30  }
0xc1: {  	s0 =	sor.u32 s3, s0;
	s1 =	sshll.u32 s1, $0x11  }
0xc2: {  	s0 =	sor.u32 s1, s0  }
0xc3: {  	s0 =	sadd.s32 $0x8F2B, s0  }
0xc4: {  	[sflag:s0] =	ssyncadd.remote.s32 $0x1  }
0xc5: {  	_ =	sfence.sel $0xFFFF  }
0xc6: {  	[dreg:$0x0] =	wrdreg $0xFFFFFFFF;
	(pc) =	sbr.abs _section_cstart, $3  }
0xc7: {  	[dreg:$0x1] =	wrdreg $0xFFFFFFFF  }
0xc8: {  	_ =	task.clear_ibuf [dreg:s8], $0x2FFFF;
	_ =	strace $0x9FFFFFFF  }
0xc9: {  	(tm) =	ssettm $0x7FFFFFFF  }
tec
execute0_lowered:
.L_overlay_start_1:
0x0: {  	(tag) =	ssettag $0x1  }
0x1: {  	s3 =	rddreg [dreg:$0x0];
	s1 =	srdreg.scid  }
0x2: {  	s5 =	rddreg [dreg:$0x1];
	s0 =	stileid.u32;
	s26 =	sand.u32 $0x1, s1  }
0x3: {  	s17 =	rddreg [dreg:$0x2];
	s4 =	sshll.u32 s0, $0xA;
	s6 =	sshll.u32 s26, $0x9  }
0x4: {  	s2 =	simm.s32 $0x0;
	s1 =	rddreg [dreg:$0x3];
	s16 =	sor.u32 s6, s4  }
0x5: {  	[smem:$0x7FF] =	sst s2;
	s6 =	sshrl.u32 s16, $0x3  }
0x6: {  	_ =	strace $0x80000047;
	s4 =	sadd.s32 s3, s6;
	s3 =	simm.s32 $0x2  }
0x7: {  	[tilespmem:s2], [sflag:$0x2] =	stream.linear.gather [hbm4b:s4+s2], $0x200, $0x38;
	[tilespmem:$0x10400] =	vst v63  }
0x8: {  	_ =	swait.ge [sflag:s3], $0x200  }
0x9: {  	[sflag:s3] =	ssyncset.done $0x0  }
0xa: {  	s5 =	sadd.s32 s5, s6;
	s6 =	simm.s32 $0x200;
	[sflag:s3] =	ssyncadd.s32 $0xFFFFFE00  }
0xb: {  	[tilespmem:s6], [sflag:$0x2] =	stream.linear.gather [hbm4b:s5+s2], $0x200, $0x38;
	[tilespmem:$0x10400] =	vst v63  }
0xc: {  	_ =	swait.ge [sflag:s3], $0x200  }
0xd: {  	s8 =	simm.s32 $0x80;
	[sflag:s3] =	ssyncset.done $0x0  }
0xe: {  	s9 =	simm.s32 $0x400;
	s7 =	sadd.s32 $0x3200, s17;
	[sflag:s3] =	ssyncadd.s32 $0xFFFFFE00  }
0xf: {  	[tilespmem:s9], [sflag:$0x1] =	stream.indirect.gather [hbm4b:s7+s8], $0x80, s2, s8, $0xb8;
	[tilespmem:$0x10400] =	vst v63  }
0x10: {  	s11 =	simm.s32 $0x8400;
	s10 =	sadd.s32 $0x3D3C00, s17  }
0x11: {  	[tilespmem:s11], [sflag:$0x1] =	stream.indirect.gather [hbm4b:s10+s8], $0x80, s6, s8, $0xb8;
	[tilespmem:$0x10400] =	vst v63  }
0x12: {  	s12 =	simm.s32 $0x4400  }
0x13: {  	[tilespmem:s12], [sflag:$0x1] =	stream.indirect.gather [hbm4b:s7+s8], $0x80, s8, s8, $0xb8;
	[tilespmem:$0x10400] =	vst v63  }
0x14: {  	s13 =	simm.s32 $0x280;
	s14 =	simm.s32 $0xC400;
	s15 =	simm.s32 $0x1  }
0x15: {  	[tilespmem:s14], [sflag:$0x1] =	stream.indirect.gather [hbm4b:s10+s8], $0x80, s13, s8, $0xb8;
	[tilespmem:$0x10400] =	vst v63  }
0x16: {  	_ =	swait.ge [sflag:s15], $0x4000  }
0x17: {  	[sflag:s15] =	ssyncset.done $0x0  }
0x18: {  	[sflag:s15] =	ssyncadd.s32 $0xFFFFC000  }
0x19: {  	_ =	swait.ge [sflag:s15], $0x4000  }
0x1a: {  	s28 =	sadd.s32 $0x497200, s17;
	s30 =	sshll.u32 s16, $0x4;
	[sflag:s15] =	ssyncset.done $0x0  }
0x1b: {  	s16 =	sadd.s32 s28, s30;
	[sflag:s15] =	ssyncadd.s32 $0xFFFFC000  }
0x1c: {  	[hbm4b:s16+s2] =	stream.linear.scatter [tilespmem:s9], [sflag:$0x2], $0x4000, $0x38;
	[tilespmem:$0x10400] =	vst v63  }
0x1d: {  	_ =	swait.ge [sflag:s3], $0x4000  }
0x1e: {  	s29 =	sadd.s32 $0x4D7200, s17;
	[sflag:s3] =	ssyncset.done $0x0  }
0x1f: {  	s17 =	sadd.s32 s29, s30;
	[sflag:s3] =	ssyncadd.s32 $0xFFFFC000  }
0x20: {  	[hbm4b:s17+s2] =	stream.linear.scatter [tilespmem:s11], [sflag:$0x2], $0x4000, $0x38;
	[tilespmem:$0x10400] =	vst v63  }
0x21: {  	_ =	swait.ge [sflag:s3], $0x4000  }
0x22: {  	[sflag:s3] =	ssyncset.done $0x0  }
0x23: {  	s18 =	simm.s32 $0x100;
	[sflag:s3] =	ssyncadd.s32 $0xFFFFC000  }
0x24: {  	[tilespmem:s9], [sflag:$0x1] =	stream.indirect.gather [hbm4b:s7+s8], $0x80, s18, s8, $0xb8;
	[tilespmem:$0x10400] =	vst v63  }
0x25: {  	s19 =	simm.s32 $0x300  }
0x26: {  	[tilespmem:s11], [sflag:$0x1] =	stream.indirect.gather [hbm4b:s10+s8], $0x80, s19, s8, $0xb8;
	[tilespmem:$0x10400] =	vst v63  }
0x27: {  	_ =	swait.ge [sflag:s15], $0x4000  }
0x28: {  	[sflag:s15] =	ssyncset.done $0x0  }
0x29: {  	[sflag:s15] =	ssyncadd.s32 $0xFFFFC000  }
0x2a: {  	_ =	swait.ge [sflag:s15], $0x4000  }
0x2b: {  	s21 =	sor.u32 $0x800, s30;
	[sflag:s15] =	ssyncset.done $0x0  }
0x2c: {  	s20 =	sadd.s32 s28, s21;
	[sflag:s15] =	ssyncadd.s32 $0xFFFFC000  }
0x2d: {  	[hbm4b:s20+s2] =	stream.linear.scatter [tilespmem:s12], [sflag:$0x2], $0x4000, $0x38;
	[tilespmem:$0x10400] =	vst v63  }
0x2e: {  	_ =	swait.ge [sflag:s3], $0x4000  }
0x2f: {  	[sflag:s3] =	ssyncset.done $0x0  }
0x30: {  	s21 =	sadd.s32 s29, s21;
	[sflag:s3] =	ssyncadd.s32 $0xFFFFC000  }
0x31: {  	[hbm4b:s21+s2] =	stream.linear.scatter [tilespmem:s14], [sflag:$0x2], $0x4000, $0x38;
	[tilespmem:$0x10400] =	vst v63  }
0x32: {  	_ =	swait.ge [sflag:s3], $0x4000  }
0x33: {  	[sflag:s3] =	ssyncset.done $0x0  }
0x34: {  	s22 =	simm.s32 $0x180;
	[sflag:s3] =	ssyncadd.s32 $0xFFFFC000  }
0x35: {  	[tilespmem:s12], [sflag:$0x1] =	stream.indirect.gather [hbm4b:s7+s8], $0x80, s22, s8, $0xb8;
	[tilespmem:$0x10400] =	vst v63  }
0x36: {  	s23 =	simm.s32 $0x380  }
0x37: {  	[tilespmem:s14], [sflag:$0x1] =	stream.indirect.gather [hbm4b:s10+s8], $0x80, s23, s8, $0xb8;
	[tilespmem:$0x10400] =	vst v63  }
0x38: {  	_ =	swait.ge [sflag:s15], $0x4000  }
0x39: {  	[sflag:s15] =	ssyncset.done $0x0  }
0x3a: {  	[sflag:s15] =	ssyncadd.s32 $0xFFFFC000  }
0x3b: {  	_ =	swait.ge [sflag:s15], $0x4000  }
0x3c: {  	s25 =	sor.u32 $0x1000, s30;
	[sflag:s15] =	ssyncset.done $0x0  }
0x3d: {  	s24 =	sadd.s32 s28, s25;
	[sflag:s15] =	ssyncadd.s32 $0xFFFFC000  }
0x3e: {  	[hbm4b:s24+s2] =	stream.linear.scatter [tilespmem:s9], [sflag:$0x2], $0x4000, $0x38;
	[tilespmem:$0x10400] =	vst v63  }
0x3f: {  	_ =	swait.ge [sflag:s3], $0x4000  }
0x40: {  	[sflag:s3] =	ssyncset.done $0x0  }
0x41: {  	s25 =	sadd.s32 s29, s25;
	[sflag:s3] =	ssyncadd.s32 $0xFFFFC000  }
0x42: {  	[hbm4b:s25+s2] =	stream.linear.scatter [tilespmem:s11], [sflag:$0x2], $0x4000, $0x38;
	[tilespmem:$0x10400] =	vst v63  }
0x43: {  	_ =	swait.ge [sflag:s3], $0x4000  }
0x44: {  	[sflag:s3] =	ssyncset.done $0x0  }
0x45: {  	[sflag:s3] =	ssyncadd.s32 $0xFFFFC000  }
0x46: {  	_ =	swait.ge [sflag:s15], $0x4000  }
0x47: {  	[sflag:s15] =	ssyncset.done $0x0  }
0x48: {  	s31 =	ssub.s32 $0x2, s26;
	s30 =	sor.u32 $0x1800, s30;
	[sflag:s15] =	ssyncadd.s32 $0xFFFFC000  }
0x49: {  	s26 =	sadd.s32 s28, s30;
	s28 =	sshrl.u32 s31, $0x1;
	_ =	swait.ge [sflag:s15], $0x4000  }
0x4a: {  	s31 =	ssub.s32 s31, s28;
	[sflag:s15] =	ssyncset.done $0x0  }
0x4b: {  	s28 =	sadd.s32 s29, s30;
	s29 =	smax.u32 s31, $0x1;
	[sflag:s15] =	ssyncadd.s32 $0xFFFFC000  }
0x4c: {  	[hbm4b:s26+s2] =	stream.linear.scatter [tilespmem:s12], [sflag:$0x2], $0x4000, $0x38;
	[tilespmem:$0x10400] =	vst v63  }
0x4d: {  	p0 =	sne.s32 s29, $0x1;
	_ =	swait.ge [sflag:s3], $0x4000  }
.Ltmp0:
0x4e: {  	[sflag:s3] =	ssyncset.done $0x0;
	(pc) =	sbr.rel @!p0 .LBB2_2-.Ltmp0, $4  }
0x4f: {  	[sflag:s3] =	ssyncadd.s32 $0xFFFFC000  }
0x50: {  	[hbm4b:s28+s2] =	stream.linear.scatter [tilespmem:s14], [sflag:$0x2], $0x4000, $0x38;
	[tilespmem:$0x10400] =	vst v63  }
0x51: {  	_ =	swait.ge [sflag:s3], $0x4000  }
0x52: {  	s29 =	sadd.s32 $0xFFFFFFFF, s29;
	[sflag:s3] =	ssyncset.done $0x0  }
.LBB2_1:
0x53: {  	p0 =	sne.s32 s29, $0x1;
	s29 =	sadd.s32 $0xFFFFFFFF, s29;
	[sflag:s3] =	ssyncadd.s32 $0xFFFFC000  }
0x54: {  	[tilespmem:s2], [sflag:$0x2] =	stream.linear.gather [hbm4b:s4+s2], $0x200, $0x38;
	[tilespmem:$0x10400] =	vst v63  }
0x55: {  	_ =	swait.ge [sflag:s3], $0x200  }
0x56: {  	[sflag:s3] =	ssyncset.done $0x0  }
0x57: {  	[sflag:s3] =	ssyncadd.s32 $0xFFFFFE00  }
0x58: {  	[tilespmem:s6], [sflag:$0x2] =	stream.linear.gather [hbm4b:s5+s2], $0x200, $0x38;
	[tilespmem:$0x10400] =	vst v63  }
0x59: {  	_ =	swait.ge [sflag:s3], $0x200  }
0x5a: {  	[sflag:s3] =	ssyncset.done $0x0  }
0x5b: {  	[sflag:s3] =	ssyncadd.s32 $0xFFFFFE00  }
0x5c: {  	[tilespmem:s9], [sflag:$0x1] =	stream.indirect.gather [hbm4b:s7+s8], $0x80, s2, s8, $0xb8;
	[tilespmem:$0x10400] =	vst v63  }
0x5d: {  	_ = 	snop  }
0x5e: {  	[tilespmem:s11], [sflag:$0x1] =	stream.indirect.gather [hbm4b:s10+s8], $0x80, s6, s8, $0xb8;
	[tilespmem:$0x10400] =	vst v63  }
0x5f: {  	_ = 	snop  }
0x60: {  	[tilespmem:s12], [sflag:$0x1] =	stream.indirect.gather [hbm4b:s7+s8], $0x80, s8, s8, $0xb8;
	[tilespmem:$0x10400] =	vst v63  }
0x61: {  	_ = 	snop  }
0x62: {  	[tilespmem:s14], [sflag:$0x1] =	stream.indirect.gather [hbm4b:s10+s8], $0x80, s13, s8, $0xb8;
	[tilespmem:$0x10400] =	vst v63  }
0x63: {  	_ =	swait.ge [sflag:s15], $0x4000  }
0x64: {  	[sflag:s15] =	ssyncset.done $0x0  }
0x65: {  	[sflag:s15] =	ssyncadd.s32 $0xFFFFC000  }
0x66: {  	_ =	swait.ge [sflag:s15], $0x4000  }
0x67: {  	[sflag:s15] =	ssyncset.done $0x0  }
0x68: {  	[sflag:s15] =	ssyncadd.s32 $0xFFFFC000  }
0x69: {  	[hbm4b:s16+s2] =	stream.linear.scatter [tilespmem:s9], [sflag:$0x2], $0x4000, $0x38;
	[tilespmem:$0x10400] =	vst v63  }
0x6a: {  	_ =	swait.ge [sflag:s3], $0x4000  }
0x6b: {  	[sflag:s3] =	ssyncset.done $0x0  }
0x6c: {  	[sflag:s3] =	ssyncadd.s32 $0xFFFFC000  }
0x6d: {  	[hbm4b:s17+s2] =	stream.linear.scatter [tilespmem:s11], [sflag:$0x2], $0x4000, $0x38;
	[tilespmem:$0x10400] =	vst v63  }
0x6e: {  	_ =	swait.ge [sflag:s3], $0x4000  }
0x6f: {  	[sflag:s3] =	ssyncset.done $0x0  }
0x70: {  	[sflag:s3] =	ssyncadd.s32 $0xFFFFC000  }
0x71: {  	[tilespmem:s9], [sflag:$0x1] =	stream.indirect.gather [hbm4b:s7+s8], $0x80, s18, s8, $0xb8;
	[tilespmem:$0x10400] =	vst v63  }
0x72: {  	_ = 	snop  }
0x73: {  	[tilespmem:s11], [sflag:$0x1] =	stream.indirect.gather [hbm4b:s10+s8], $0x80, s19, s8, $0xb8;
	[tilespmem:$0x10400] =	vst v63  }
0x74: {  	_ =	swait.ge [sflag:s15], $0x4000  }
0x75: {  	[sflag:s15] =	ssyncset.done $0x0  }
0x76: {  	[sflag:s15] =	ssyncadd.s32 $0xFFFFC000  }
0x77: {  	_ =	swait.ge [sflag:s15], $0x4000  }
0x78: {  	[sflag:s15] =	ssyncset.done $0x0  }
0x79: {  	[sflag:s15] =	ssyncadd.s32 $0xFFFFC000  }
0x7a: {  	[hbm4b:s20+s2] =	stream.linear.scatter [tilespmem:s12], [sflag:$0x2], $0x4000, $0x38;
	[tilespmem:$0x10400] =	vst v63  }
0x7b: {  	_ =	swait.ge [sflag:s3], $0x4000  }
0x7c: {  	[sflag:s3] =	ssyncset.done $0x0  }
0x7d: {  	[sflag:s3] =	ssyncadd.s32 $0xFFFFC000  }
0x7e: {  	[hbm4b:s21+s2] =	stream.linear.scatter [tilespmem:s14], [sflag:$0x2], $0x4000, $0x38;
	[tilespmem:$0x10400] =	vst v63  }
0x7f: {  	_ =	swait.ge [sflag:s3], $0x4000  }
0x80: {  	[sflag:s3] =	ssyncset.done $0x0  }
0x81: {  	[sflag:s3] =	ssyncadd.s32 $0xFFFFC000  }
0x82: {  	[tilespmem:s12], [sflag:$0x1] =	stream.indirect.gather [hbm4b:s7+s8], $0x80, s22, s8, $0xb8;
	[tilespmem:$0x10400] =	vst v63  }
0x83: {  	_ = 	snop  }
0x84: {  	[tilespmem:s14], [sflag:$0x1] =	stream.indirect.gather [hbm4b:s10+s8], $0x80, s23, s8, $0xb8;
	[tilespmem:$0x10400] =	vst v63  }
0x85: {  	_ =	swait.ge [sflag:s15], $0x4000  }
0x86: {  	[sflag:s15] =	ssyncset.done $0x0  }
0x87: {  	[sflag:s15] =	ssyncadd.s32 $0xFFFFC000  }
0x88: {  	_ =	swait.ge [sflag:s15], $0x4000  }
0x89: {  	[sflag:s15] =	ssyncset.done $0x0  }
0x8a: {  	[sflag:s15] =	ssyncadd.s32 $0xFFFFC000  }
0x8b: {  	[hbm4b:s24+s2] =	stream.linear.scatter [tilespmem:s9], [sflag:$0x2], $0x4000, $0x38;
	[tilespmem:$0x10400] =	vst v63  }
0x8c: {  	_ =	swait.ge [sflag:s3], $0x4000  }
0x8d: {  	[sflag:s3] =	ssyncset.done $0x0  }
0x8e: {  	[sflag:s3] =	ssyncadd.s32 $0xFFFFC000  }
0x8f: {  	[hbm4b:s25+s2] =	stream.linear.scatter [tilespmem:s11], [sflag:$0x2], $0x4000, $0x38;
	[tilespmem:$0x10400] =	vst v63  }
0x90: {  	_ =	swait.ge [sflag:s3], $0x4000  }
0x91: {  	[sflag:s3] =	ssyncset.done $0x0  }
0x92: {  	[sflag:s3] =	ssyncadd.s32 $0xFFFFC000  }
0x93: {  	_ =	swait.ge [sflag:s15], $0x4000  }
0x94: {  	[sflag:s15] =	ssyncset.done $0x0  }
0x95: {  	[sflag:s15] =	ssyncadd.s32 $0xFFFFC000  }
0x96: {  	_ =	swait.ge [sflag:s15], $0x4000  }
0x97: {  	[sflag:s15] =	ssyncset.done $0x0  }
0x98: {  	[sflag:s15] =	ssyncadd.s32 $0xFFFFC000  }
0x99: {  	[hbm4b:s26+s2] =	stream.linear.scatter [tilespmem:s12], [sflag:$0x2], $0x4000, $0x38;
	[tilespmem:$0x10400] =	vst v63  }
0x9a: {  	_ =	swait.ge [sflag:s3], $0x4000  }
.Ltmp1:
0x9b: {  	[sflag:s3] =	ssyncset.done $0x0;
	(pc) =	sbr.rel @p0 .LBB2_1-.Ltmp1, $4  }
0x9c: {  	[sflag:s3] =	ssyncadd.s32 $0xFFFFC000  }
0x9d: {  	[hbm4b:s28+s2] =	stream.linear.scatter [tilespmem:s14], [sflag:$0x2], $0x4000, $0x38;
	[tilespmem:$0x10400] =	vst v63  }
0x9e: {  	_ =	swait.ge [sflag:s3], $0x4000  }
0x9f: {  	[sflag:s3] =	ssyncset.done $0x0  }
.LBB2_2:
0xa0: {  	[sflag:s3] =	ssyncadd.s32 $0xFFFFC000  }
0xa1: {  	_ =	sfence.sel $0x180000  }
0xa2: {  	[bflag:$0x0] =	sbarrier.arrive $0xFFFF  }
0xa3: {  	p0 =	sne.s32 s0, $0x0;
	_ =	strace $0x90000047  }
0xa4: {  	s0 =	sadd.s32 @!p0 $0x100000, s1;
	[bflag:$0x2] =	sbarrier.arrive $0xFFFF  }
0xa5: {  	[sflag:s0] =	ssyncadd.tile.s32 @!p0 $0x1;
	_ =	shalt  }
.Lfunc_end2:
_tile_overlayer_lowered:
.L_overlay_start_2:
0xa6: {  	(tag) =	ssettag $0x2  }
0xa7: {  	s0 =	rddreg [dreg:$0x0];
	s2 =	stileid.u32  }
0xa8: {  	s1 =	rddreg [dreg:$0x1];
	p0 =	sne.s32 s2, $0x0  }
0xa9: {  	s3 =	rddreg [dreg:$0x2];
	[bflag:$0x3] =	sbarrier.arrive $0xFFFF;
	s2 =	simm.s32 @!p0 $0x1C02  }
0xaa: {  	[timem:s3], [sflag:s2] =	dma.local @!p0 [hbm:s0], s1  }
0xab: {  	s0 =	simm.s32 @!p0 $0x2  }
0xac: {  	_ =	swait.ge @!p0 [sflag:s0], s1  }
0xad: {  	s1 =	ssub.s32 @!p0 $0x0, s1;
	[sflag:s0] =	ssyncset.done @!p0 $0x0  }
0xae: {  	[sflag:s0] =	ssyncadd.s32 @!p0 s1  }
0xaf: {  	[bflag:$0x3] =	sbarrier.arrive $0xFFFF  }
0xb0: {  	_ =	shalt  }

</sc_bundles>
